<compile_context>
chip_gen: v7x
topology: tpu7x:2x2x1
jax: 0.10.2.dev20260603
libtpu: 0.0.44.dev20260713+nightly
codegen_flags: <defaults>
</compile_context>

<pallas_src>
import functools

import jax
import jax.numpy as jnp
from jax import lax
from jax.experimental import pallas as pl
from jax.experimental.pallas import tpu as pltpu
from jax.experimental.pallas import tpu_sc as plsc

N = 10000
NPAD = 10240
NB = NPAD // 128
E = 320000
NT = 32
CH = 80
K = 128
EPAD = NT * CH * K
RPT = NPAD // 16
NBUF = 4
EPS = 1e-5
BM = 1024
NBM = NPAD // BM
SUB = BM // 128

_MESH = plsc.VectorSubcoreMesh(core_axis_name="c", subcore_axis_name="s")


@functools.partial(
    pl.kernel,
    out_type=jax.ShapeDtypeStruct((NT, NB, 128), jnp.float32),
    mesh=_MESH,
    compiler_params=pltpu.CompilerParams(needs_layout_passes=False),
    scratch_types=[
        pltpu.VMEM((CH, K), jnp.int32),
        pltpu.VMEM((NB, 128), jnp.float32),
    ],
)
def _deg_kernel(dst_hbm, zh_hbm, out_hbm, dst_v, hist_v):
    c = lax.axis_index("c")
    s = lax.axis_index("s")
    w = c * 16 + s
    pltpu.sync_copy(zh_hbm, hist_v)
    pltpu.sync_copy(dst_hbm.at[pl.ds(w * CH, CH)], dst_v)
    ones = jnp.ones((16,), jnp.float32)

    def body(i, carry):
        j = i // 8
        t = i % 8
        idx = dst_v[j, pl.ds(t * 16, 16)]
        plsc.addupdate_scatter(hist_v, [idx >> 7, idx & 127], ones)
        return carry

    lax.fori_loop(0, CH * 8, body, 0)
    pltpu.sync_copy(hist_v, out_hbm.at[w])


NCHUNK = EPAD // K
CHF = 128
CHS = NCHUNK // 16 - CHF


@functools.partial(
    pl.kernel,
    out_type=jax.ShapeDtypeStruct((2, NPAD, 128), jnp.float32),
    mesh=_MESH,
    scratch_types=[
        pltpu.VMEM((CHF, K), jnp.int32),
        pltpu.VMEM((CHF, K), jnp.int32),
        pltpu.VMEM((K, 128), jnp.float32),
        pltpu.VMEM_SHARED((NPAD, 128), jnp.float32),
        pltpu.SemaphoreType.DMA,
    ],
)
def _agg_kernel(h_hbm, src_hbm, dst_hbm, zb_hbm, out_hbm,
                src_v, dst_v, rows_v, acc, sem):
    c = lax.axis_index("c")
    s = lax.axis_index("s")

    @pl.when(c == 0)
    def _():
        for k in range(RPT // K):
            pltpu.sync_copy(zb_hbm, acc.at[pl.ds(s * RPT + k * K, K)])
        pltpu.sync_copy(src_hbm.at[pl.ds(s * CHF, CHF)], src_v)
        pltpu.sync_copy(dst_hbm.at[pl.ds(s * CHF, CHF)], dst_v)

    @pl.when(c == 1)
    def _():
        zv = jnp.zeros((16,), jnp.float32)

        def zbody(i, carry):
            rows_v[i // 8, pl.ds((i % 8) * 16, 16)] = zv
            return carry

        lax.fori_loop(0, K * 8, zbody, 0)
        for k in range(RPT // K):
            pltpu.sync_copy(rows_v, acc.at[pl.ds(s * RPT + k * K, K)])

    @pl.when(c == 1)
    def _():
        base = 16 * CHF + s * CHS
        pltpu.sync_copy(src_hbm.at[pl.ds(base, CHS)],
                        src_v.at[pl.ds(0, CHS)])
        pltpu.sync_copy(dst_hbm.at[pl.ds(base, CHS)],
                        dst_v.at[pl.ds(0, CHS)])

    plsc.subcore_barrier()
    nch = jnp.where(c == 0, CHF, CHS)

    def body(j, carry):
        pltpu.async_copy(h_hbm.at[src_v.at[j]], rows_v, sem).wait()
        pltpu.sync_copy(rows_v, acc.at[dst_v.at[j]], add=True)
        return carry

    lax.fori_loop(0, nch, body, 0)
    plsc.subcore_barrier()
    pltpu.sync_copy(acc.at[pl.ds(s * RPT, RPT)],
                    out_hbm.at[c, pl.ds(s * RPT, RPT)])


def _dis_block(hist_ref):
    deg = jnp.sum(hist_ref[...], axis=0) + 1.0
    return lax.rsqrt(deg)


def _scale_rows(t, dis):
    return (t.reshape(SUB, 128, 128) * dis[:, :, None]).reshape(BM, 128)


def _tc1_body(x_ref, w1_ref, hist_ref, out_ref):
    dis = _dis_block(hist_ref)
    h = jnp.dot(x_ref[...], w1_ref[...], preferred_element_type=jnp.float32)
    out_ref[...] = _scale_rows(h, dis)


def _tc2_body(a_ref, h1_ref, hist_ref, b1_ref, gamma_ref, beta_ref,
              rmean_ref, rvar_ref, w2_ref, out_ref):
    dis = _dis_block(hist_ref)
    a = a_ref[...]
    sv = _scale_rows(a[0] + a[1] + h1_ref[...], dis) + b1_ref[...]
    scale = gamma_ref[...] * lax.rsqrt(rvar_ref[...] + EPS)
    g = jnp.maximum((sv - rmean_ref[...]) * scale + beta_ref[...], 0.0)
    h2 = jnp.dot(g, w2_ref[...], preferred_element_type=jnp.float32)
    out_ref[...] = _scale_rows(h2, dis)


def _tc3_body(a_ref, h2_ref, hist_ref, b2_ref, out_ref):
    dis = _dis_block(hist_ref)
    a = a_ref[...]
    o = _scale_rows(a[0] + a[1] + h2_ref[...], dis) + b2_ref[...]
    m = jnp.max(o, axis=1, keepdims=True)
    lse = jnp.log(jnp.sum(jnp.exp(o - m), axis=1, keepdims=True)) + m
    out_ref[...] = o - lse


_SPEC_ROWS = pl.BlockSpec((BM, 128), lambda i: (i, 0))
_SPEC_W = pl.BlockSpec((128, 128), lambda i: (0, 0))
_SPEC_HIST = pl.BlockSpec((NT, SUB, 128), lambda i: (0, i, 0))
_SPEC_VEC = pl.BlockSpec((1, 128), lambda i: (0, 0))
_SPEC_AGG = pl.BlockSpec((2, BM, 128), lambda i: (0, i, 0))
_OUT_ROWS = jax.ShapeDtypeStruct((NPAD, 128), jnp.float32)


def kernel(x, edge_index, W1, b1, W2, b2, gamma, beta, rmean, rvar):
    src = edge_index[0]
    dst = edge_index[1]
    pad = EPAD - E
    src_p = jnp.concatenate(
        [src, jnp.zeros((pad,), jnp.int32)]).reshape(EPAD // K, K)
    dst_pad_rows = N + jnp.arange(pad, dtype=jnp.int32) % (NPAD - N)
    dst_p = jnp.concatenate([dst, dst_pad_rows]).reshape(EPAD // K, K)

    zh = jnp.zeros((NB, 128), jnp.float32)
    zb = jnp.zeros((K, 128), jnp.float32)
    x_pad = jnp.pad(x, ((0, NPAD - N), (0, 0)))

    hist = _deg_kernel(dst_p, zh)

    h1 = pl.pallas_call(
        _tc1_body,
        grid=(NBM,),
        in_specs=[_SPEC_ROWS, _SPEC_W, _SPEC_HIST],
        out_specs=_SPEC_ROWS,
        out_shape=_OUT_ROWS,
    )(x_pad, W1, hist)

    agg1 = _agg_kernel(h1, src_p, dst_p, zb)

    b1r = b1.reshape(1, 128)
    gammar = gamma.reshape(1, 128)
    betar = beta.reshape(1, 128)
    rmeanr = rmean.reshape(1, 128)
    rvarr = rvar.reshape(1, 128)
    b2r = b2.reshape(1, 128)

    h2 = pl.pallas_call(
        _tc2_body,
        grid=(NBM,),
        in_specs=[_SPEC_AGG, _SPEC_ROWS, _SPEC_HIST, _SPEC_VEC, _SPEC_VEC,
                  _SPEC_VEC, _SPEC_VEC, _SPEC_VEC, _SPEC_W],
        out_specs=_SPEC_ROWS,
        out_shape=_OUT_ROWS,
    )(agg1, h1, hist, b1r, gammar, betar, rmeanr, rvarr, W2)

    agg2 = _agg_kernel(h2, src_p, dst_p, zb)

    out = pl.pallas_call(
        _tc3_body,
        grid=(NBM,),
        in_specs=[_SPEC_AGG, _SPEC_ROWS, _SPEC_HIST, _SPEC_VEC],
        out_specs=_SPEC_ROWS,
        out_shape=_OUT_ROWS,
    )(agg2, h2, hist, b2r)

    return out[:N]

# --- scband reference (transcript-rebuilt; emitter-appended) ---
"""Pipeline reference for scband-gnnmodel-1133871366240 (READ-ONLY COPY).

The authoritative reference and input builder live on the scoring server;
editing this copy changes nothing except your own understanding.
"""

import jax
import jax.numpy as jnp
import numpy as np

N = 10000
E = 320000
IN = 128
HID = 128  # hidden_dim=64 doubled for GCN branch
OUT = 128
EPS = 1e-5


def setup_inputs(seed: int = 0):
    key = jax.random.key(seed)
    ks = jax.random.split(key, 10)
    x = jax.random.normal(ks[0], (N, IN), dtype=jnp.float32)
    edge_index = jax.random.randint(ks[1], (2, E), 0, N, dtype=jnp.int32)
    W1 = jax.random.normal(ks[2], (IN, HID), dtype=jnp.float32) * (1.0 / np.sqrt(IN))
    b1 = jnp.zeros((HID,), dtype=jnp.float32)
    W2 = jax.random.normal(ks[3], (HID, OUT), dtype=jnp.float32) * (1.0 / np.sqrt(HID))
    b2 = jnp.zeros((OUT,), dtype=jnp.float32)
    gamma = jnp.ones((HID,), dtype=jnp.float32)
    beta = jnp.zeros((HID,), dtype=jnp.float32)
    rmean = jnp.zeros((HID,), dtype=jnp.float32)
    rvar = jnp.ones((HID,), dtype=jnp.float32)
    return {"x": x, "edge_index": edge_index, "W1": W1, "b1": b1,
            "W2": W2, "b2": b2, "gamma": gamma, "beta": beta,
            "rmean": rmean, "rvar": rvar}


def _gcn_conv(x, src, dst, W, b):
    # PyG GCNConv: add self-loops, symmetric normalization, linear, aggregate, bias
    n = x.shape[0]
    deg = jax.ops.segment_sum(jnp.ones_like(dst, dtype=x.dtype), dst, num_segments=n)
    deg_inv_sqrt = jnp.where(deg > 0, deg ** -0.5, 0.0)
    norm = deg_inv_sqrt[src] * deg_inv_sqrt[dst]
    h = x @ W
    msg = norm[:, None] * jnp.take(h, src, axis=0)
    out = jax.ops.segment_sum(msg, dst, num_segments=n)
    return out + b


def reference(x, edge_index, W1, b1, W2, b2, gamma, beta, rmean, rvar):
    n = x.shape[0]
    loop = jnp.arange(n, dtype=edge_index.dtype)
    src = jnp.concatenate([edge_index[0], loop])
    dst = jnp.concatenate([edge_index[1], loop])
    # layer 1
    h = _gcn_conv(x, src, dst, W1, b1)
    # eval-mode BatchNorm1d with running stats
    h = (h - rmean) / jnp.sqrt(rvar + EPS) * gamma + beta
    h = jax.nn.relu(h)
    # dropout is identity in eval mode
    # layer 2
    h = _gcn_conv(h, src, dst, W2, b2)
    return jax.nn.log_softmax(h, axis=1)

if __name__ == "__main__":
    import jax
    _d = setup_inputs()
    print(jax.jit(kernel)(*tuple(_d.values())))

</pallas_src>

<mosaic_0001>
#map = affine_map<(d0, d1) -> (0, 0)>
#map1 = affine_map<(d0, d1) -> (0, 0, 0)>
module attributes {stable_mosaic.version = 14 : i64} {
  func.func @_agg_kernel(%arg0: i32, %arg1: i32, %arg2: memref<10240x128xf32, #tpu.memory_space<hbm>>, %arg3: memref<2560x128xi32, #tpu.memory_space<hbm>>, %arg4: memref<2560x128xi32, #tpu.memory_space<hbm>>, %arg5: memref<128x128xf32, #tpu.memory_space<hbm>>, %arg6: memref<2x10240x128xf32, #tpu.memory_space<hbm>>, %arg7: memref<128x128xi32, #tpu.memory_space<vmem>>, %arg8: memref<128x128xi32, #tpu.memory_space<vmem>>, %arg9: memref<128x128xf32, #tpu.memory_space<vmem>>, %arg10: memref<10240x128xf32, #tpu.memory_space<vmem_shared>>, %arg11: memref<!tpu.dma_semaphore, #tpu.memory_space<semaphore_mem>>) attributes {dimension_semantics = [#tpu.dimension_semantics<core_parallel>, #tpu.dimension_semantics<subcore_parallel>], iteration_bounds = array<i64: 2, 16>, scalar_prefetch = 0 : i64, scratch_operands = 5 : i64, tpu.core_type = #tpu.core_type<sc_vector_subcore>, window_params = [{transform_indices = #map}, {transform_indices = #map}, {transform_indices = #map}, {transform_indices = #map}, {transform_indices = #map1}]} {
    %eq3A = arith.constant 0 : i32
    %eq3A_0 = arith.cmpi eq, %arg0, %eq3A : i32
    %convert_element_type3A = arith.extui %eq3A_0 : i1 to i32
    %cond3A = arith.constant 0 : i32
    %cond3A_1 = arith.cmpi ne, %convert_element_type3A, %cond3A : i32
    scf.if %cond3A_1 {
      %mul3A_28 = arith.constant 640 : i32
      %mul3A_29 = arith.muli %arg1, %mul3A_28 : i32
      %add3A = arith.constant 0 : i32
      %add3A_30 = arith.addi %mul3A_29, %add3A : i32
      "tpu.region"() ({
        %run_scoped3A = tpu.sem_alloc : memref<!tpu.dma_semaphore, #tpu.memory_space<semaphore_mem>>
        %dma_start3A = arith.constant 0 : i32
        %dma_start3A_51 = tpu.memref_slice %arg10[%add3A_30, %dma_start3A] : memref<10240x128xf32, #tpu.memory_space<vmem_shared>> -> memref<128x128xf32, #tpu.memory_space<vmem_shared>>
        tpu.enqueue_dma source(%arg5 : memref<128x128xf32, #tpu.memory_space<hbm>>) target(%dma_start3A_51 : memref<128x128xf32, #tpu.memory_space<vmem_shared>>) target_semaphore(%run_scoped3A : memref<!tpu.dma_semaphore, #tpu.memory_space<semaphore_mem>>)
        %dma_wait3A = arith.constant 0 : i32
        %dma_wait3A_52 = tpu.memref_slice %arg10[%add3A_30, %dma_wait3A] : memref<10240x128xf32, #tpu.memory_space<vmem_shared>> -> memref<128x128xf32, #tpu.memory_space<vmem_shared>>
        tpu.wait_dma2 semaphore(%run_scoped3A : memref<!tpu.dma_semaphore, #tpu.memory_space<semaphore_mem>>) src(%arg5 : memref<128x128xf32, #tpu.memory_space<hbm>>) dst(%dma_wait3A_52 : memref<128x128xf32, #tpu.memory_space<vmem_shared>>)
        tpu.yield
      }) : () -> ()
      %mul3A_31 = arith.constant 640 : i32
      %mul3A_32 = arith.muli %arg1, %mul3A_31 : i32
      %add3A_33 = arith.constant 128 : i32
      %add3A_34 = arith.addi %mul3A_32, %add3A_33 : i32
      "tpu.region"() ({
        %run_scoped3A = tpu.sem_alloc : memref<!tpu.dma_semaphore, #tpu.memory_space<semaphore_mem>>
        %dma_start3A = arith.constant 0 : i32
        %dma_start3A_51 = tpu.memref_slice %arg10[%add3A_34, %dma_start3A] : memref<10240x128xf32, #tpu.memory_space<vmem_shared>> -> memref<128x128xf32, #tpu.memory_space<vmem_shared>>
        tpu.enqueue_dma source(%arg5 : memref<128x128xf32, #tpu.memory_space<hbm>>) target(%dma_start3A_51 : memref<128x128xf32, #tpu.memory_space<vmem_shared>>) target_semaphore(%run_scoped3A : memref<!tpu.dma_semaphore, #tpu.memory_space<semaphore_mem>>)
        %dma_wait3A = arith.constant 0 : i32
        %dma_wait3A_52 = tpu.memref_slice %arg10[%add3A_34, %dma_wait3A] : memref<10240x128xf32, #tpu.memory_space<vmem_shared>> -> memref<128x128xf32, #tpu.memory_space<vmem_shared>>
        tpu.wait_dma2 semaphore(%run_scoped3A : memref<!tpu.dma_semaphore, #tpu.memory_space<semaphore_mem>>) src(%arg5 : memref<128x128xf32, #tpu.memory_space<hbm>>) dst(%dma_wait3A_52 : memref<128x128xf32, #tpu.memory_space<vmem_shared>>)
        tpu.yield
      }) : () -> ()
      %mul3A_35 = arith.constant 640 : i32
      %mul3A_36 = arith.muli %arg1, %mul3A_35 : i32
      %add3A_37 = arith.constant 256 : i32
      %add3A_38 = arith.addi %mul3A_36, %add3A_37 : i32
      "tpu.region"() ({
        %run_scoped3A = tpu.sem_alloc : memref<!tpu.dma_semaphore, #tpu.memory_space<semaphore_mem>>
        %dma_start3A = arith.constant 0 : i32
        %dma_start3A_51 = tpu.memref_slice %arg10[%add3A_38, %dma_start3A] : memref<10240x128xf32, #tpu.memory_space<vmem_shared>> -> memref<128x128xf32, #tpu.memory_space<vmem_shared>>
        tpu.enqueue_dma source(%arg5 : memref<128x128xf32, #tpu.memory_space<hbm>>) target(%dma_start3A_51 : memref<128x128xf32, #tpu.memory_space<vmem_shared>>) target_semaphore(%run_scoped3A : memref<!tpu.dma_semaphore, #tpu.memory_space<semaphore_mem>>)
        %dma_wait3A = arith.constant 0 : i32
        %dma_wait3A_52 = tpu.memref_slice %arg10[%add3A_38, %dma_wait3A] : memref<10240x128xf32, #tpu.memory_space<vmem_shared>> -> memref<128x128xf32, #tpu.memory_space<vmem_shared>>
        tpu.wait_dma2 semaphore(%run_scoped3A : memref<!tpu.dma_semaphore, #tpu.memory_space<semaphore_mem>>) src(%arg5 : memref<128x128xf32, #tpu.memory_space<hbm>>) dst(%dma_wait3A_52 : memref<128x128xf32, #tpu.memory_space<vmem_shared>>)
        tpu.yield
      }) : () -> ()
      %mul3A_39 = arith.constant 640 : i32
      %mul3A_40 = arith.muli %arg1, %mul3A_39 : i32
      %add3A_41 = arith.constant 384 : i32
      %add3A_42 = arith.addi %mul3A_40, %add3A_41 : i32
      "tpu.region"() ({
        %run_scoped3A = tpu.sem_alloc : memref<!tpu.dma_semaphore, #tpu.memory_space<semaphore_mem>>
        %dma_start3A = arith.constant 0 : i32
        %dma_start3A_51 = tpu.memref_slice %arg10[%add3A_42, %dma_start3A] : memref<10240x128xf32, #tpu.memory_space<vmem_shared>> -> memref<128x128xf32, #tpu.memory_space<vmem_shared>>
        tpu.enqueue_dma source(%arg5 : memref<128x128xf32, #tpu.memory_space<hbm>>) target(%dma_start3A_51 : memref<128x128xf32, #tpu.memory_space<vmem_shared>>) target_semaphore(%run_scoped3A : memref<!tpu.dma_semaphore, #tpu.memory_space<semaphore_mem>>)
        %dma_wait3A = arith.constant 0 : i32
        %dma_wait3A_52 = tpu.memref_slice %arg10[%add3A_42, %dma_wait3A] : memref<10240x128xf32, #tpu.memory_space<vmem_shared>> -> memref<128x128xf32, #tpu.memory_space<vmem_shared>>
        tpu.wait_dma2 semaphore(%run_scoped3A : memref<!tpu.dma_semaphore, #tpu.memory_space<semaphore_mem>>) src(%arg5 : memref<128x128xf32, #tpu.memory_space<hbm>>) dst(%dma_wait3A_52 : memref<128x128xf32, #tpu.memory_space<vmem_shared>>)
        tpu.yield
      }) : () -> ()
      %mul3A_43 = arith.constant 640 : i32
      %mul3A_44 = arith.muli %arg1, %mul3A_43 : i32
      %add3A_45 = arith.constant 512 : i32
      %add3A_46 = arith.addi %mul3A_44, %add3A_45 : i32
      "tpu.region"() ({
        %run_scoped3A = tpu.sem_alloc : memref<!tpu.dma_semaphore, #tpu.memory_space<semaphore_mem>>
        %dma_start3A = arith.constant 0 : i32
        %dma_start3A_51 = tpu.memref_slice %arg10[%add3A_46, %dma_start3A] : memref<10240x128xf32, #tpu.memory_space<vmem_shared>> -> memref<128x128xf32, #tpu.memory_space<vmem_shared>>
        tpu.enqueue_dma source(%arg5 : memref<128x128xf32, #tpu.memory_space<hbm>>) target(%dma_start3A_51 : memref<128x128xf32, #tpu.memory_space<vmem_shared>>) target_semaphore(%run_scoped3A : memref<!tpu.dma_semaphore, #tpu.memory_space<semaphore_mem>>)
        %dma_wait3A = arith.constant 0 : i32
        %dma_wait3A_52 = tpu.memref_slice %arg10[%add3A_46, %dma_wait3A] : memref<10240x128xf32, #tpu.memory_space<vmem_shared>> -> memref<128x128xf32, #tpu.memory_space<vmem_shared>>
        tpu.wait_dma2 semaphore(%run_scoped3A : memref<!tpu.dma_semaphore, #tpu.memory_space<semaphore_mem>>) src(%arg5 : memref<128x128xf32, #tpu.memory_space<hbm>>) dst(%dma_wait3A_52 : memref<128x128xf32, #tpu.memory_space<vmem_shared>>)
        tpu.yield
      }) : () -> ()
      %mul3A_47 = arith.constant 128 : i32
      %mul3A_48 = arith.muli %arg1, %mul3A_47 : i32
      "tpu.region"() ({
        %run_scoped3A = tpu.sem_alloc : memref<!tpu.dma_semaphore, #tpu.memory_space<semaphore_mem>>
        %dma_start3A = arith.constant 0 : i32
        %dma_start3A_51 = tpu.memref_slice %arg3[%mul3A_48, %dma_start3A] : memref<2560x128xi32, #tpu.memory_space<hbm>> -> memref<128x128xi32, #tpu.memory_space<hbm>>
        %dma_start3A_52 = arith.constant 0 : i32
        %dma_start3A_53 = tpu.memref_slice %arg3[%mul3A_48, %dma_start3A_52] : memref<2560x128xi32, #tpu.memory_space<hbm>> -> memref<128x128xi32, #tpu.memory_space<hbm>>
        tpu.enqueue_dma source(%dma_start3A_53 : memref<128x128xi32, #tpu.memory_space<hbm>>) target(%arg7 : memref<128x128xi32, #tpu.memory_space<vmem>>) target_semaphore(%run_scoped3A : memref<!tpu.dma_semaphore, #tpu.memory_space<semaphore_mem>>)
        %dma_wait3A = arith.constant 0 : i32
        %dma_wait3A_54 = tpu.memref_slice %arg3[%mul3A_48, %dma_wait3A] : memref<2560x128xi32, #tpu.memory_space<hbm>> -> memref<128x128xi32, #tpu.memory_space<hbm>>
        %dma_wait3A_55 = arith.constant 0 : i32
        %dma_wait3A_56 = tpu.memref_slice %arg3[%mul3A_48, %dma_wait3A_55] : memref<2560x128xi32, #tpu.memory_space<hbm>> -> memref<128x128xi32, #tpu.memory_space<hbm>>
        tpu.wait_dma2 semaphore(%run_scoped3A : memref<!tpu.dma_semaphore, #tpu.memory_space<semaphore_mem>>) src(%dma_wait3A_56 : memref<128x128xi32, #tpu.memory_space<hbm>>) dst(%arg7 : memref<128x128xi32, #tpu.memory_space<vmem>>)
        tpu.yield
      }) : () -> ()
      %mul3A_49 = arith.constant 128 : i32
      %mul3A_50 = arith.muli %arg1, %mul3A_49 : i32
      "tpu.region"() ({
        %run_scoped3A = tpu.sem_alloc : memref<!tpu.dma_semaphore, #tpu.memory_space<semaphore_mem>>
        %dma_start3A = arith.constant 0 : i32
        %dma_start3A_51 = tpu.memref_slice %arg4[%mul3A_50, %dma_start3A] : memref<2560x128xi32, #tpu.memory_space<hbm>> -> memref<128x128xi32, #tpu.memory_space<hbm>>
        %dma_start3A_52 = arith.constant 0 : i32
        %dma_start3A_53 = tpu.memref_slice %arg4[%mul3A_50, %dma_start3A_52] : memref<2560x128xi32, #tpu.memory_space<hbm>> -> memref<128x128xi32, #tpu.memory_space<hbm>>
        tpu.enqueue_dma source(%dma_start3A_53 : memref<128x128xi32, #tpu.memory_space<hbm>>) target(%arg8 : memref<128x128xi32, #tpu.memory_space<vmem>>) target_semaphore(%run_scoped3A : memref<!tpu.dma_semaphore, #tpu.memory_space<semaphore_mem>>)
        %dma_wait3A = arith.constant 0 : i32
        %dma_wait3A_54 = tpu.memref_slice %arg4[%mul3A_50, %dma_wait3A] : memref<2560x128xi32, #tpu.memory_space<hbm>> -> memref<128x128xi32, #tpu.memory_space<hbm>>
        %dma_wait3A_55 = arith.constant 0 : i32
        %dma_wait3A_56 = tpu.memref_slice %arg4[%mul3A_50, %dma_wait3A_55] : memref<2560x128xi32, #tpu.memory_space<hbm>> -> memref<128x128xi32, #tpu.memory_space<hbm>>
        tpu.wait_dma2 semaphore(%run_scoped3A : memref<!tpu.dma_semaphore, #tpu.memory_space<semaphore_mem>>) src(%dma_wait3A_56 : memref<128x128xi32, #tpu.memory_space<hbm>>) dst(%arg8 : memref<128x128xi32, #tpu.memory_space<vmem>>)
        tpu.yield
      }) : () -> ()
    } else {
    }
    %eq3A_2 = arith.constant 1 : i32
    %eq3A_3 = arith.cmpi eq, %arg0, %eq3A_2 : i32
    %convert_element_type3A_4 = arith.extui %eq3A_3 : i1 to i32
    %cond3A_5 = arith.constant 0 : i32
    %cond3A_6 = arith.cmpi ne, %convert_element_type3A_4, %cond3A_5 : i32
    scf.if %cond3A_6 {
      %broadcast_in_dim3A = arith.constant 0.000000e+00 : f32
      %broadcast_in_dim3A_28 = vector.broadcast %broadcast_in_dim3A : f32 to vector<16xf32>
      %scan3A = arith.constant 0 : i32
      %scan3A_29 = arith.constant 0 : i32
      %scan3A_30 = arith.constant 1024 : i32
      %scan3A_31 = arith.addi %scan3A_29, %scan3A_30 : i32
      %scan3A_32 = arith.constant 1 : i32
      scf.for %scan3A_53 = %scan3A_29 to %scan3A_31 step %scan3A_32  : i32 {
        %jit3A_54 = arith.constant 8 : i32
        %div3A = arith.divsi %scan3A_53, %jit3A_54 : i32
        %sign3A = arith.constant 0 : i32
        %sign3A_55 = arith.cmpi sgt, %scan3A_53, %sign3A : i32
        %sign3A_56 = arith.extui %sign3A_55 : i1 to i32
        %sign3A_57 = arith.constant 0 : i32
        %sign3A_58 = arith.cmpi slt, %scan3A_53, %sign3A_57 : i32
        %sign3A_59 = arith.extui %sign3A_58 : i1 to i32
        %sign3A_60 = arith.subi %sign3A_56, %sign3A_59 : i32
        %sign3A_61 = arith.constant 0 : i32
        %sign3A_62 = arith.cmpi sgt, %jit3A_54, %sign3A_61 : i32
        %sign3A_63 = arith.extui %sign3A_62 : i1 to i32
        %sign3A_64 = arith.constant 0 : i32
        %sign3A_65 = arith.cmpi slt, %jit3A_54, %sign3A_64 : i32
        %sign3A_66 = arith.extui %sign3A_65 : i1 to i32
        %sign3A_67 = arith.subi %sign3A_63, %sign3A_66 : i32
        %ne3A = arith.cmpi ne, %sign3A_60, %sign3A_67 : i32
        %rem3A = arith.remsi %scan3A_53, %jit3A_54 : i32
        %ne3A_68 = arith.constant 0 : i32
        %ne3A_69 = arith.cmpi ne, %rem3A, %ne3A_68 : i32
        %and3A = arith.andi %ne3A, %ne3A_69 : i1
        %sub3A = arith.constant 1 : i32
        %sub3A_70 = arith.subi %div3A, %sub3A : i32
        %select_n3A_71 = arith.select %and3A, %sub3A_70, %div3A : i32
        %jit3A_72 = arith.constant 8 : i32
        %eq3A_73 = arith.constant 0 : i32
        %eq3A_74 = arith.cmpi eq, %jit3A_72, %eq3A_73 : i32
        %jit3A_75 = arith.constant 1 : i32
        %select_n3A_76 = arith.select %eq3A_74, %jit3A_75, %jit3A_72 : i32
        %rem3A_77 = arith.remsi %scan3A_53, %select_n3A_76 : i32
        %ne3A_78 = arith.constant 0 : i32
        %ne3A_79 = arith.cmpi ne, %rem3A_77, %ne3A_78 : i32
        %lt3A = arith.constant 0 : i32
        %lt3A_80 = arith.cmpi slt, %rem3A_77, %lt3A : i32
        %lt3A_81 = arith.constant 0 : i32
        %lt3A_82 = arith.cmpi slt, %select_n3A_76, %lt3A_81 : i32
        %ne3A_83 = arith.xori %lt3A_80, %lt3A_82 : i1
        %and3A_84 = arith.andi %ne3A_83, %ne3A_79 : i1
        %add3A_85 = arith.addi %rem3A_77, %select_n3A_76 : i32
        %select_n3A_86 = arith.select %and3A_84, %add3A_85, %rem3A_77 : i32
        %mul3A_87 = arith.constant 16 : i32
        %mul3A_88 = arith.muli %select_n3A_86, %mul3A_87 : i32
        %swap3A = arith.index_cast %select_n3A_71 : i32 to index
        %swap3A_89 = arith.index_cast %mul3A_88 : i32 to index
        %swap3A_90 = tpu.vector_load %arg9[%swap3A, %swap3A_89] {strides = array<i32>} : memref<128x128xf32, #tpu.memory_space<vmem>>, vector<1x16xf32>,
        %swap3A_91 = vector.shape_cast %swap3A_90 : vector<1x16xf32> to vector<16xf32>
        %swap3A_92 = vector.shape_cast %broadcast_in_dim3A_28 : vector<16xf32> to vector<1x16xf32>
        tpu.vector_store %arg9[%swap3A, %swap3A_89], %swap3A_92 {strides = array<i32>} : memref<128x128xf32, #tpu.memory_space<vmem>>, vector<1x16xf32>,
      }
      %scan3A_33 = arith.constant 1024 : i32
      %mul3A_34 = arith.constant 640 : i32
      %mul3A_35 = arith.muli %arg1, %mul3A_34 : i32
      %add3A = arith.constant 0 : i32
      %add3A_36 = arith.addi %mul3A_35, %add3A : i32
      "tpu.region"() ({
        %run_scoped3A = tpu.sem_alloc : memref<!tpu.dma_semaphore, #tpu.memory_space<semaphore_mem>>
        %dma_start3A = arith.constant 0 : i32
        %dma_start3A_53 = tpu.memref_slice %arg10[%add3A_36, %dma_start3A] : memref<10240x128xf32, #tpu.memory_space<vmem_shared>> -> memref<128x128xf32, #tpu.memory_space<vmem_shared>>
        %dma_start3A_54 = arith.constant 0 : i32
        %dma_start3A_55 = tpu.memref_slice %arg10[%add3A_36, %dma_start3A_54] : memref<10240x128xf32, #tpu.memory_space<vmem_shared>> -> memref<128x128xf32, #tpu.memory_space<vmem_shared>>
        tpu.enqueue_dma source(%arg9 : memref<128x128xf32, #tpu.memory_space<vmem>>) target(%dma_start3A_55 : memref<128x128xf32, #tpu.memory_space<vmem_shared>>) target_semaphore(%run_scoped3A : memref<!tpu.dma_semaphore, #tpu.memory_space<semaphore_mem>>)
        %dma_wait3A = arith.constant 0 : i32
        %dma_wait3A_56 = tpu.memref_slice %arg10[%add3A_36, %dma_wait3A] : memref<10240x128xf32, #tpu.memory_space<vmem_shared>> -> memref<128x128xf32, #tpu.memory_space<vmem_shared>>
        %dma_wait3A_57 = arith.constant 0 : i32
        %dma_wait3A_58 = tpu.memref_slice %arg10[%add3A_36, %dma_wait3A_57] : memref<10240x128xf32, #tpu.memory_space<vmem_shared>> -> memref<128x128xf32, #tpu.memory_space<vmem_shared>>
        tpu.wait_dma2 semaphore(%run_scoped3A : memref<!tpu.dma_semaphore, #tpu.memory_space<semaphore_mem>>) src(%arg9 : memref<128x128xf32, #tpu.memory_space<vmem>>) dst(%dma_wait3A_58 : memref<128x128xf32, #tpu.memory_space<vmem_shared>>)
        tpu.yield
      }) : () -> ()
      %mul3A_37 = arith.constant 640 : i32
      %mul3A_38 = arith.muli %arg1, %mul3A_37 : i32
      %add3A_39 = arith.constant 128 : i32
      %add3A_40 = arith.addi %mul3A_38, %add3A_39 : i32
      "tpu.region"() ({
        %run_scoped3A = tpu.sem_alloc : memref<!tpu.dma_semaphore, #tpu.memory_space<semaphore_mem>>
        %dma_start3A = arith.constant 0 : i32
        %dma_start3A_53 = tpu.memref_slice %arg10[%add3A_40, %dma_start3A] : memref<10240x128xf32, #tpu.memory_space<vmem_shared>> -> memref<128x128xf32, #tpu.memory_space<vmem_shared>>
        %dma_start3A_54 = arith.constant 0 : i32
        %dma_start3A_55 = tpu.memref_slice %arg10[%add3A_40, %dma_start3A_54] : memref<10240x128xf32, #tpu.memory_space<vmem_shared>> -> memref<128x128xf32, #tpu.memory_space<vmem_shared>>
        tpu.enqueue_dma source(%arg9 : memref<128x128xf32, #tpu.memory_space<vmem>>) target(%dma_start3A_55 : memref<128x128xf32, #tpu.memory_space<vmem_shared>>) target_semaphore(%run_scoped3A : memref<!tpu.dma_semaphore, #tpu.memory_space<semaphore_mem>>)
        %dma_wait3A = arith.constant 0 : i32
        %dma_wait3A_56 = tpu.memref_slice %arg10[%add3A_40, %dma_wait3A] : memref<10240x128xf32, #tpu.memory_space<vmem_shared>> -> memref<128x128xf32, #tpu.memory_space<vmem_shared>>
        %dma_wait3A_57 = arith.constant 0 : i32
        %dma_wait3A_58 = tpu.memref_slice %arg10[%add3A_40, %dma_wait3A_57] : memref<10240x128xf32, #tpu.memory_space<vmem_shared>> -> memref<128x128xf32, #tpu.memory_space<vmem_shared>>
        tpu.wait_dma2 semaphore(%run_scoped3A : memref<!tpu.dma_semaphore, #tpu.memory_space<semaphore_mem>>) src(%arg9 : memref<128x128xf32, #tpu.memory_space<vmem>>) dst(%dma_wait3A_58 : memref<128x128xf32, #tpu.memory_space<vmem_shared>>)
        tpu.yield
      }) : () -> ()
      %mul3A_41 = arith.constant 640 : i32
      %mul3A_42 = arith.muli %arg1, %mul3A_41 : i32
      %add3A_43 = arith.constant 256 : i32
      %add3A_44 = arith.addi %mul3A_42, %add3A_43 : i32
      "tpu.region"() ({
        %run_scoped3A = tpu.sem_alloc : memref<!tpu.dma_semaphore, #tpu.memory_space<semaphore_mem>>
        %dma_start3A = arith.constant 0 : i32
        %dma_start3A_53 = tpu.memref_slice %arg10[%add3A_44, %dma_start3A] : memref<10240x128xf32, #tpu.memory_space<vmem_shared>> -> memref<128x128xf32, #tpu.memory_space<vmem_shared>>
        %dma_start3A_54 = arith.constant 0 : i32
        %dma_start3A_55 = tpu.memref_slice %arg10[%add3A_44, %dma_start3A_54] : memref<10240x128xf32, #tpu.memory_space<vmem_shared>> -> memref<128x128xf32, #tpu.memory_space<vmem_shared>>
        tpu.enqueue_dma source(%arg9 : memref<128x128xf32, #tpu.memory_space<vmem>>) target(%dma_start3A_55 : memref<128x128xf32, #tpu.memory_space<vmem_shared>>) target_semaphore(%run_scoped3A : memref<!tpu.dma_semaphore, #tpu.memory_space<semaphore_mem>>)
        %dma_wait3A = arith.constant 0 : i32
        %dma_wait3A_56 = tpu.memref_slice %arg10[%add3A_44, %dma_wait3A] : memref<10240x128xf32, #tpu.memory_space<vmem_shared>> -> memref<128x128xf32, #tpu.memory_space<vmem_shared>>
        %dma_wait3A_57 = arith.constant 0 : i32
        %dma_wait3A_58 = tpu.memref_slice %arg10[%add3A_44, %dma_wait3A_57] : memref<10240x128xf32, #tpu.memory_space<vmem_shared>> -> memref<128x128xf32, #tpu.memory_space<vmem_shared>>
        tpu.wait_dma2 semaphore(%run_scoped3A : memref<!tpu.dma_semaphore, #tpu.memory_space<semaphore_mem>>) src(%arg9 : memref<128x128xf32, #tpu.memory_space<vmem>>) dst(%dma_wait3A_58 : memref<128x128xf32, #tpu.memory_space<vmem_shared>>)
        tpu.yield
      }) : () -> ()
      %mul3A_45 = arith.constant 640 : i32
      %mul3A_46 = arith.muli %arg1, %mul3A_45 : i32
      %add3A_47 = arith.constant 384 : i32
      %add3A_48 = arith.addi %mul3A_46, %add3A_47 : i32
      "tpu.region"() ({
        %run_scoped3A = tpu.sem_alloc : memref<!tpu.dma_semaphore, #tpu.memory_space<semaphore_mem>>
        %dma_start3A = arith.constant 0 : i32
        %dma_start3A_53 = tpu.memref_slice %arg10[%add3A_48, %dma_start3A] : memref<10240x128xf32, #tpu.memory_space<vmem_shared>> -> memref<128x128xf32, #tpu.memory_space<vmem_shared>>
        %dma_start3A_54 = arith.constant 0 : i32
        %dma_start3A_55 = tpu.memref_slice %arg10[%add3A_48, %dma_start3A_54] : memref<10240x128xf32, #tpu.memory_space<vmem_shared>> -> memref<128x128xf32, #tpu.memory_space<vmem_shared>>
        tpu.enqueue_dma source(%arg9 : memref<128x128xf32, #tpu.memory_space<vmem>>) target(%dma_start3A_55 : memref<128x128xf32, #tpu.memory_space<vmem_shared>>) target_semaphore(%run_scoped3A : memref<!tpu.dma_semaphore, #tpu.memory_space<semaphore_mem>>)
        %dma_wait3A = arith.constant 0 : i32
        %dma_wait3A_56 = tpu.memref_slice %arg10[%add3A_48, %dma_wait3A] : memref<10240x128xf32, #tpu.memory_space<vmem_shared>> -> memref<128x128xf32, #tpu.memory_space<vmem_shared>>
        %dma_wait3A_57 = arith.constant 0 : i32
        %dma_wait3A_58 = tpu.memref_slice %arg10[%add3A_48, %dma_wait3A_57] : memref<10240x128xf32, #tpu.memory_space<vmem_shared>> -> memref<128x128xf32, #tpu.memory_space<vmem_shared>>
        tpu.wait_dma2 semaphore(%run_scoped3A : memref<!tpu.dma_semaphore, #tpu.memory_space<semaphore_mem>>) src(%arg9 : memref<128x128xf32, #tpu.memory_space<vmem>>) dst(%dma_wait3A_58 : memref<128x128xf32, #tpu.memory_space<vmem_shared>>)
        tpu.yield
      }) : () -> ()
      %mul3A_49 = arith.constant 640 : i32
      %mul3A_50 = arith.muli %arg1, %mul3A_49 : i32
      %add3A_51 = arith.constant 512 : i32
      %add3A_52 = arith.addi %mul3A_50, %add3A_51 : i32
      "tpu.region"() ({
        %run_scoped3A = tpu.sem_alloc : memref<!tpu.dma_semaphore, #tpu.memory_space<semaphore_mem>>
        %dma_start3A = arith.constant 0 : i32
        %dma_start3A_53 = tpu.memref_slice %arg10[%add3A_52, %dma_start3A] : memref<10240x128xf32, #tpu.memory_space<vmem_shared>> -> memref<128x128xf32, #tpu.memory_space<vmem_shared>>
        %dma_start3A_54 = arith.constant 0 : i32
        %dma_start3A_55 = tpu.memref_slice %arg10[%add3A_52, %dma_start3A_54] : memref<10240x128xf32, #tpu.memory_space<vmem_shared>> -> memref<128x128xf32, #tpu.memory_space<vmem_shared>>
        tpu.enqueue_dma source(%arg9 : memref<128x128xf32, #tpu.memory_space<vmem>>) target(%dma_start3A_55 : memref<128x128xf32, #tpu.memory_space<vmem_shared>>) target_semaphore(%run_scoped3A : memref<!tpu.dma_semaphore, #tpu.memory_space<semaphore_mem>>)
        %dma_wait3A = arith.constant 0 : i32
        %dma_wait3A_56 = tpu.memref_slice %arg10[%add3A_52, %dma_wait3A] : memref<10240x128xf32, #tpu.memory_space<vmem_shared>> -> memref<128x128xf32, #tpu.memory_space<vmem_shared>>
        %dma_wait3A_57 = arith.constant 0 : i32
        %dma_wait3A_58 = tpu.memref_slice %arg10[%add3A_52, %dma_wait3A_57] : memref<10240x128xf32, #tpu.memory_space<vmem_shared>> -> memref<128x128xf32, #tpu.memory_space<vmem_shared>>
        tpu.wait_dma2 semaphore(%run_scoped3A : memref<!tpu.dma_semaphore, #tpu.memory_space<semaphore_mem>>) src(%arg9 : memref<128x128xf32, #tpu.memory_space<vmem>>) dst(%dma_wait3A_58 : memref<128x128xf32, #tpu.memory_space<vmem_shared>>)
        tpu.yield
      }) : () -> ()
    } else {
    }
    %eq3A_7 = arith.constant 1 : i32
    %eq3A_8 = arith.cmpi eq, %arg0, %eq3A_7 : i32
    %convert_element_type3A_9 = arith.extui %eq3A_8 : i1 to i32
    %cond3A_10 = arith.constant 0 : i32
    %cond3A_11 = arith.cmpi ne, %convert_element_type3A_9, %cond3A_10 : i32
    scf.if %cond3A_11 {
      %mul3A_28 = arith.constant 32 : i32
      %mul3A_29 = arith.muli %arg1, %mul3A_28 : i32
      %add3A = arith.constant 2048 : i32
      %add3A_30 = arith.addi %add3A, %mul3A_29 : i32
      "tpu.region"() ({
        %run_scoped3A = tpu.sem_alloc : memref<!tpu.dma_semaphore, #tpu.memory_space<semaphore_mem>>
        %dma_start3A = arith.constant 0 : i32
        %dma_start3A_31 = arith.constant 0 : i32
        %dma_start3A_32 = tpu.memref_slice %arg7[%dma_start3A, %dma_start3A_31] : memref<128x128xi32, #tpu.memory_space<vmem>> -> memref<32x128xi32, #tpu.memory_space<vmem>>
        %dma_start3A_33 = arith.constant 0 : i32
        %dma_start3A_34 = tpu.memref_slice %arg3[%add3A_30, %dma_start3A_33] : memref<2560x128xi32, #tpu.memory_space<hbm>> -> memref<32x128xi32, #tpu.memory_space<hbm>>
        %dma_start3A_35 = arith.constant 0 : i32
        %dma_start3A_36 = arith.constant 0 : i32
        %dma_start3A_37 = tpu.memref_slice %arg7[%dma_start3A_35, %dma_start3A_36] : memref<128x128xi32, #tpu.memory_space<vmem>> -> memref<32x128xi32, #tpu.memory_space<vmem>>
        %dma_start3A_38 = arith.constant 0 : i32
        %dma_start3A_39 = tpu.memref_slice %arg3[%add3A_30, %dma_start3A_38] : memref<2560x128xi32, #tpu.memory_space<hbm>> -> memref<32x128xi32, #tpu.memory_space<hbm>>
        tpu.enqueue_dma source(%dma_start3A_39 : memref<32x128xi32, #tpu.memory_space<hbm>>) target(%dma_start3A_37 : memref<32x128xi32, #tpu.memory_space<vmem>>) target_semaphore(%run_scoped3A : memref<!tpu.dma_semaphore, #tpu.memory_space<semaphore_mem>>)
        %dma_wait3A = arith.constant 0 : i32
        %dma_wait3A_40 = arith.constant 0 : i32
        %dma_wait3A_41 = tpu.memref_slice %arg7[%dma_wait3A, %dma_wait3A_40] : memref<128x128xi32, #tpu.memory_space<vmem>> -> memref<32x128xi32, #tpu.memory_space<vmem>>
        %dma_wait3A_42 = arith.constant 0 : i32
        %dma_wait3A_43 = tpu.memref_slice %arg3[%add3A_30, %dma_wait3A_42] : memref<2560x128xi32, #tpu.memory_space<hbm>> -> memref<32x128xi32, #tpu.memory_space<hbm>>
        %dma_wait3A_44 = arith.constant 0 : i32
        %dma_wait3A_45 = arith.constant 0 : i32
        %dma_wait3A_46 = tpu.memref_slice %arg7[%dma_wait3A_44, %dma_wait3A_45] : memref<128x128xi32, #tpu.memory_space<vmem>> -> memref<32x128xi32, #tpu.memory_space<vmem>>
        %dma_wait3A_47 = arith.constant 0 : i32
        %dma_wait3A_48 = tpu.memref_slice %arg3[%add3A_30, %dma_wait3A_47] : memref<2560x128xi32, #tpu.memory_space<hbm>> -> memref<32x128xi32, #tpu.memory_space<hbm>>
        tpu.wait_dma2 semaphore(%run_scoped3A : memref<!tpu.dma_semaphore, #tpu.memory_space<semaphore_mem>>) src(%dma_wait3A_48 : memref<32x128xi32, #tpu.memory_space<hbm>>) dst(%dma_wait3A_46 : memref<32x128xi32, #tpu.memory_space<vmem>>)
        tpu.yield
      }) : () -> ()
      "tpu.region"() ({
        %run_scoped3A = tpu.sem_alloc : memref<!tpu.dma_semaphore, #tpu.memory_space<semaphore_mem>>
        %dma_start3A = arith.constant 0 : i32
        %dma_start3A_31 = arith.constant 0 : i32
        %dma_start3A_32 = tpu.memref_slice %arg8[%dma_start3A, %dma_start3A_31] : memref<128x128xi32, #tpu.memory_space<vmem>> -> memref<32x128xi32, #tpu.memory_space<vmem>>
        %dma_start3A_33 = arith.constant 0 : i32
        %dma_start3A_34 = tpu.memref_slice %arg4[%add3A_30, %dma_start3A_33] : memref<2560x128xi32, #tpu.memory_space<hbm>> -> memref<32x128xi32, #tpu.memory_space<hbm>>
        %dma_start3A_35 = arith.constant 0 : i32
        %dma_start3A_36 = arith.constant 0 : i32
        %dma_start3A_37 = tpu.memref_slice %arg8[%dma_start3A_35, %dma_start3A_36] : memref<128x128xi32, #tpu.memory_space<vmem>> -> memref<32x128xi32, #tpu.memory_space<vmem>>
        %dma_start3A_38 = arith.constant 0 : i32
        %dma_start3A_39 = tpu.memref_slice %arg4[%add3A_30, %dma_start3A_38] : memref<2560x128xi32, #tpu.memory_space<hbm>> -> memref<32x128xi32, #tpu.memory_space<hbm>>
        tpu.enqueue_dma source(%dma_start3A_39 : memref<32x128xi32, #tpu.memory_space<hbm>>) target(%dma_start3A_37 : memref<32x128xi32, #tpu.memory_space<vmem>>) target_semaphore(%run_scoped3A : memref<!tpu.dma_semaphore, #tpu.memory_space<semaphore_mem>>)
        %dma_wait3A = arith.constant 0 : i32
        %dma_wait3A_40 = arith.constant 0 : i32
        %dma_wait3A_41 = tpu.memref_slice %arg8[%dma_wait3A, %dma_wait3A_40] : memref<128x128xi32, #tpu.memory_space<vmem>> -> memref<32x128xi32, #tpu.memory_space<vmem>>
        %dma_wait3A_42 = arith.constant 0 : i32
        %dma_wait3A_43 = tpu.memref_slice %arg4[%add3A_30, %dma_wait3A_42] : memref<2560x128xi32, #tpu.memory_space<hbm>> -> memref<32x128xi32, #tpu.memory_space<hbm>>
        %dma_wait3A_44 = arith.constant 0 : i32
        %dma_wait3A_45 = arith.constant 0 : i32
        %dma_wait3A_46 = tpu.memref_slice %arg8[%dma_wait3A_44, %dma_wait3A_45] : memref<128x128xi32, #tpu.memory_space<vmem>> -> memref<32x128xi32, #tpu.memory_space<vmem>>
        %dma_wait3A_47 = arith.constant 0 : i32
        %dma_wait3A_48 = tpu.memref_slice %arg4[%add3A_30, %dma_wait3A_47] : memref<2560x128xi32, #tpu.memory_space<hbm>> -> memref<32x128xi32, #tpu.memory_space<hbm>>
        tpu.wait_dma2 semaphore(%run_scoped3A : memref<!tpu.dma_semaphore, #tpu.memory_space<semaphore_mem>>) src(%dma_wait3A_48 : memref<32x128xi32, #tpu.memory_space<hbm>>) dst(%dma_wait3A_46 : memref<32x128xi32, #tpu.memory_space<vmem>>)
        tpu.yield
      }) : () -> ()
    } else {
    }
    %barrier3A = arith.constant 0 : index
    tpu.barrier barrier_id(%barrier3A)
    %eq3A_12 = arith.constant 0 : i32
    %eq3A_13 = arith.cmpi eq, %arg0, %eq3A_12 : i32
    %jit3A = arith.constant 128 : i32
    %jit3A_14 = arith.constant 32 : i32
    %select_n3A = arith.select %eq3A_13, %jit3A, %jit3A_14 : i32
    %while3A = arith.constant 0 : i32
    %while3A_15 = arith.constant 0 : i32
    %while3A_16 = arith.subi %select_n3A, %while3A_15 : i32
    %while3A_17 = arith.addi %while3A_15, %while3A_16 : i32
    %while3A_18 = arith.constant 1 : i32
    %while3A_19 = arith.divsi %while3A_16, %while3A_18 : i32
    %while3A_20 = arith.muli %while3A_19, %while3A_18 : i32
    %while3A_21 = arith.addi %while3A_15, %while3A_20 : i32
    %while3A_22 = arith.constant 1 : i32
    scf.for %while3A_28 = %while3A_15 to %while3A_21 step %while3A_22  : i32 {
      %dma_start3A = arith.constant 0 : i32
      %dma_start3A_29 = tpu.memref_slice %arg7[%while3A_28, %dma_start3A] : memref<128x128xi32, #tpu.memory_space<vmem>> -> memref<1x128xi32, #tpu.memory_space<vmem>>
      %dma_start3A_30 = tpu.memref_squeeze %dma_start3A_29 : memref<1x128xi32, #tpu.memory_space<vmem>> -> memref<128xi32, #tpu.memory_space<vmem>>
      %dma_start3A_31 = arith.constant 0 : i32
      %dma_start3A_32 = arith.constant 0 : i32
      %dma_start3A_33 = tpu.memref_slice %arg2[%dma_start3A_31, %dma_start3A_32] : memref<10240x128xf32, #tpu.memory_space<hbm>> -> memref<10240x128xf32, #tpu.memory_space<hbm>>
      tpu.enqueue_indirect_dma source(%dma_start3A_33 : memref<10240x128xf32, #tpu.memory_space<hbm>>) target(%arg9 : memref<128x128xf32, #tpu.memory_space<vmem>>) offsets(%dma_start3A_30 : memref<128xi32, #tpu.memory_space<vmem>>) semaphore(%arg11 : memref<!tpu.dma_semaphore, #tpu.memory_space<semaphore_mem>>)
      %dma_wait3A = arith.constant 0 : i32
      %dma_wait3A_34 = tpu.memref_slice %arg7[%while3A_28, %dma_wait3A] : memref<128x128xi32, #tpu.memory_space<vmem>> -> memref<1x128xi32, #tpu.memory_space<vmem>>
      %dma_wait3A_35 = tpu.memref_squeeze %dma_wait3A_34 : memref<1x128xi32, #tpu.memory_space<vmem>> -> memref<128xi32, #tpu.memory_space<vmem>>
      %dma_wait3A_36 = arith.constant 0 : i32
      %dma_wait3A_37 = arith.constant 0 : i32
      %dma_wait3A_38 = tpu.memref_slice %arg2[%dma_wait3A_36, %dma_wait3A_37] : memref<10240x128xf32, #tpu.memory_space<hbm>> -> memref<10240x128xf32, #tpu.memory_space<hbm>>
      tpu.wait_indirect_dma semaphore(%arg11 : memref<!tpu.dma_semaphore, #tpu.memory_space<semaphore_mem>>) src(%dma_wait3A_38 : memref<10240x128xf32, #tpu.memory_space<hbm>>) dst(%arg9 : memref<128x128xf32, #tpu.memory_space<vmem>>)
      "tpu.region"() ({
        %run_scoped3A = tpu.sem_alloc : memref<!tpu.dma_semaphore, #tpu.memory_space<semaphore_mem>>
        %dma_start3A_39 = arith.constant 0 : i32
        %dma_start3A_40 = tpu.memref_slice %arg8[%while3A_28, %dma_start3A_39] : memref<128x128xi32, #tpu.memory_space<vmem>> -> memref<1x128xi32, #tpu.memory_space<vmem>>
        %dma_start3A_41 = tpu.memref_squeeze %dma_start3A_40 : memref<1x128xi32, #tpu.memory_space<vmem>> -> memref<128xi32, #tpu.memory_space<vmem>>
        %dma_start3A_42 = arith.constant 0 : i32
        %dma_start3A_43 = arith.constant 0 : i32
        %dma_start3A_44 = tpu.memref_slice %arg10[%dma_start3A_42, %dma_start3A_43] : memref<10240x128xf32, #tpu.memory_space<vmem_shared>> -> memref<10240x128xf32, #tpu.memory_space<vmem_shared>>
        tpu.enqueue_indirect_dma source(%arg9 : memref<128x128xf32, #tpu.memory_space<vmem>>) target(%dma_start3A_44 : memref<10240x128xf32, #tpu.memory_space<vmem_shared>>) offsets(%dma_start3A_41 : memref<128xi32, #tpu.memory_space<vmem>>) semaphore(%run_scoped3A : memref<!tpu.dma_semaphore, #tpu.memory_space<semaphore_mem>>) {add = true}
        %dma_wait3A_45 = arith.constant 0 : i32
        %dma_wait3A_46 = tpu.memref_slice %arg8[%while3A_28, %dma_wait3A_45] : memref<128x128xi32, #tpu.memory_space<vmem>> -> memref<1x128xi32, #tpu.memory_space<vmem>>
        %dma_wait3A_47 = tpu.memref_squeeze %dma_wait3A_46 : memref<1x128xi32, #tpu.memory_space<vmem>> -> memref<128xi32, #tpu.memory_space<vmem>>
        %dma_wait3A_48 = arith.constant 0 : i32
        %dma_wait3A_49 = arith.constant 0 : i32
        %dma_wait3A_50 = tpu.memref_slice %arg10[%dma_wait3A_48, %dma_wait3A_49] : memref<10240x128xf32, #tpu.memory_space<vmem_shared>> -> memref<10240x128xf32, #tpu.memory_space<vmem_shared>>
        tpu.wait_indirect_dma semaphore(%run_scoped3A : memref<!tpu.dma_semaphore, #tpu.memory_space<semaphore_mem>>) src(%arg9 : memref<128x128xf32, #tpu.memory_space<vmem>>) dst(%dma_wait3A_50 : memref<10240x128xf32, #tpu.memory_space<vmem_shared>>)
        tpu.yield
      }) : () -> ()
    }
    %while3A_23 = arith.constant 1 : i32
    scf.for %while3A_28 = %while3A_21 to %while3A_17 step %while3A_23  : i32 {
      %dma_start3A = arith.constant 0 : i32
      %dma_start3A_29 = tpu.memref_slice %arg7[%while3A_28, %dma_start3A] : memref<128x128xi32, #tpu.memory_space<vmem>> -> memref<1x128xi32, #tpu.memory_space<vmem>>
      %dma_start3A_30 = tpu.memref_squeeze %dma_start3A_29 : memref<1x128xi32, #tpu.memory_space<vmem>> -> memref<128xi32, #tpu.memory_space<vmem>>
      %dma_start3A_31 = arith.constant 0 : i32
      %dma_start3A_32 = arith.constant 0 : i32
      %dma_start3A_33 = tpu.memref_slice %arg2[%dma_start3A_31, %dma_start3A_32] : memref<10240x128xf32, #tpu.memory_space<hbm>> -> memref<10240x128xf32, #tpu.memory_space<hbm>>
      tpu.enqueue_indirect_dma source(%dma_start3A_33 : memref<10240x128xf32, #tpu.memory_space<hbm>>) target(%arg9 : memref<128x128xf32, #tpu.memory_space<vmem>>) offsets(%dma_start3A_30 : memref<128xi32, #tpu.memory_space<vmem>>) semaphore(%arg11 : memref<!tpu.dma_semaphore, #tpu.memory_space<semaphore_mem>>)
      %dma_wait3A = arith.constant 0 : i32
      %dma_wait3A_34 = tpu.memref_slice %arg7[%while3A_28, %dma_wait3A] : memref<128x128xi32, #tpu.memory_space<vmem>> -> memref<1x128xi32, #tpu.memory_space<vmem>>
      %dma_wait3A_35 = tpu.memref_squeeze %dma_wait3A_34 : memref<1x128xi32, #tpu.memory_space<vmem>> -> memref<128xi32, #tpu.memory_space<vmem>>
      %dma_wait3A_36 = arith.constant 0 : i32
      %dma_wait3A_37 = arith.constant 0 : i32
      %dma_wait3A_38 = tpu.memref_slice %arg2[%dma_wait3A_36, %dma_wait3A_37] : memref<10240x128xf32, #tpu.memory_space<hbm>> -> memref<10240x128xf32, #tpu.memory_space<hbm>>
      tpu.wait_indirect_dma semaphore(%arg11 : memref<!tpu.dma_semaphore, #tpu.memory_space<semaphore_mem>>) src(%dma_wait3A_38 : memref<10240x128xf32, #tpu.memory_space<hbm>>) dst(%arg9 : memref<128x128xf32, #tpu.memory_space<vmem>>)
      "tpu.region"() ({
        %run_scoped3A = tpu.sem_alloc : memref<!tpu.dma_semaphore, #tpu.memory_space<semaphore_mem>>
        %dma_start3A_39 = arith.constant 0 : i32
        %dma_start3A_40 = tpu.memref_slice %arg8[%while3A_28, %dma_start3A_39] : memref<128x128xi32, #tpu.memory_space<vmem>> -> memref<1x128xi32, #tpu.memory_space<vmem>>
        %dma_start3A_41 = tpu.memref_squeeze %dma_start3A_40 : memref<1x128xi32, #tpu.memory_space<vmem>> -> memref<128xi32, #tpu.memory_space<vmem>>
        %dma_start3A_42 = arith.constant 0 : i32
        %dma_start3A_43 = arith.constant 0 : i32
        %dma_start3A_44 = tpu.memref_slice %arg10[%dma_start3A_42, %dma_start3A_43] : memref<10240x128xf32, #tpu.memory_space<vmem_shared>> -> memref<10240x128xf32, #tpu.memory_space<vmem_shared>>
        tpu.enqueue_indirect_dma source(%arg9 : memref<128x128xf32, #tpu.memory_space<vmem>>) target(%dma_start3A_44 : memref<10240x128xf32, #tpu.memory_space<vmem_shared>>) offsets(%dma_start3A_41 : memref<128xi32, #tpu.memory_space<vmem>>) semaphore(%run_scoped3A : memref<!tpu.dma_semaphore, #tpu.memory_space<semaphore_mem>>) {add = true}
        %dma_wait3A_45 = arith.constant 0 : i32
        %dma_wait3A_46 = tpu.memref_slice %arg8[%while3A_28, %dma_wait3A_45] : memref<128x128xi32, #tpu.memory_space<vmem>> -> memref<1x128xi32, #tpu.memory_space<vmem>>
        %dma_wait3A_47 = tpu.memref_squeeze %dma_wait3A_46 : memref<1x128xi32, #tpu.memory_space<vmem>> -> memref<128xi32, #tpu.memory_space<vmem>>
        %dma_wait3A_48 = arith.constant 0 : i32
        %dma_wait3A_49 = arith.constant 0 : i32
        %dma_wait3A_50 = tpu.memref_slice %arg10[%dma_wait3A_48, %dma_wait3A_49] : memref<10240x128xf32, #tpu.memory_space<vmem_shared>> -> memref<10240x128xf32, #tpu.memory_space<vmem_shared>>
        tpu.wait_indirect_dma semaphore(%run_scoped3A : memref<!tpu.dma_semaphore, #tpu.memory_space<semaphore_mem>>) src(%arg9 : memref<128x128xf32, #tpu.memory_space<vmem>>) dst(%dma_wait3A_50 : memref<10240x128xf32, #tpu.memory_space<vmem_shared>>)
        tpu.yield
      }) : () -> ()
    }
    %barrier3A_24 = arith.constant 0 : index
    tpu.barrier barrier_id(%barrier3A_24)
    %mul3A = arith.constant 640 : i32
    %mul3A_25 = arith.muli %arg1, %mul3A : i32
    %mul3A_26 = arith.constant 640 : i32
    %mul3A_27 = arith.muli %arg1, %mul3A_26 : i32
    "tpu.region"() ({
      %run_scoped3A = tpu.sem_alloc : memref<!tpu.dma_semaphore, #tpu.memory_space<semaphore_mem>>
      %dma_start3A = arith.constant 0 : i32
      %dma_start3A_28 = tpu.memref_slice %arg6[%arg0, %mul3A_27, %dma_start3A] : memref<2x10240x128xf32, #tpu.memory_space<hbm>> -> memref<1x640x128xf32, #tpu.memory_space<hbm>>
      %dma_start3A_29 = tpu.memref_squeeze %dma_start3A_28 : memref<1x640x128xf32, #tpu.memory_space<hbm>> -> memref<640x128xf32, #tpu.memory_space<hbm>>
      %dma_start3A_30 = arith.constant 0 : i32
      %dma_start3A_31 = tpu.memref_slice %arg10[%mul3A_25, %dma_start3A_30] : memref<10240x128xf32, #tpu.memory_space<vmem_shared>> -> memref<640x128xf32, #tpu.memory_space<vmem_shared>>
      tpu.enqueue_dma source(%dma_start3A_31 : memref<640x128xf32, #tpu.memory_space<vmem_shared>>) target(%dma_start3A_29 : memref<640x128xf32, #tpu.memory_space<hbm>>) target_semaphore(%run_scoped3A : memref<!tpu.dma_semaphore, #tpu.memory_space<semaphore_mem>>)
      %dma_wait3A = arith.constant 0 : i32
      %dma_wait3A_32 = tpu.memref_slice %arg6[%arg0, %mul3A_27, %dma_wait3A] : memref<2x10240x128xf32, #tpu.memory_space<hbm>> -> memref<1x640x128xf32, #tpu.memory_space<hbm>>
      %dma_wait3A_33 = tpu.memref_squeeze %dma_wait3A_32 : memref<1x640x128xf32, #tpu.memory_space<hbm>> -> memref<640x128xf32, #tpu.memory_space<hbm>>
      %dma_wait3A_34 = arith.constant 0 : i32
      %dma_wait3A_35 = tpu.memref_slice %arg10[%mul3A_25, %dma_wait3A_34] : memref<10240x128xf32, #tpu.memory_space<vmem_shared>> -> memref<640x128xf32, #tpu.memory_space<vmem_shared>>
      tpu.wait_dma2 semaphore(%run_scoped3A : memref<!tpu.dma_semaphore, #tpu.memory_space<semaphore_mem>>) src(%dma_wait3A_35 : memref<640x128xf32, #tpu.memory_space<vmem_shared>>) dst(%dma_wait3A_33 : memref<640x128xf32, #tpu.memory_space<hbm>>)
      tpu.yield
    }) : () -> ()
    return
  }
}

#map = affine_map<(d0, d1) -> (0, 0)>
#map1 = affine_map<(d0, d1) -> (0, 0, 0)>
module attributes {stable_mosaic.version = 14 : i64} {
  func.func @_deg_kernel(%arg0: i32, %arg1: i32, %arg2: memref<2560x128xi32, #tpu.memory_space<hbm>>, %arg3: memref<80x128xf32, #tpu.memory_space<hbm>>, %arg4: memref<32x80x128xf32, #tpu.memory_space<hbm>>, %arg5: memref<80x128xi32, #tpu.memory_space<vmem>>, %arg6: memref<80x128xf32, #tpu.memory_space<vmem>>) attributes {dimension_semantics = [#tpu.dimension_semantics<core_parallel>, #tpu.dimension_semantics<subcore_parallel>], iteration_bounds = array<i64: 2, 16>, scalar_prefetch = 0 : i64, scratch_operands = 2 : i64, tpu.core_type = #tpu.core_type<sc_vector_subcore>, window_params = [{transform_indices = #map}, {transform_indices = #map}, {transform_indices = #map1}]} {
    %mul3A = arith.constant 16 : i32
    %mul3A_0 = arith.muli %arg0, %mul3A : i32
    %add3A = arith.addi %mul3A_0, %arg1 : i32
    "tpu.region"() ({
      %run_scoped3A = tpu.sem_alloc : memref<!tpu.dma_semaphore, #tpu.memory_space<semaphore_mem>>
      tpu.enqueue_dma source(%arg3 : memref<80x128xf32, #tpu.memory_space<hbm>>) target(%arg6 : memref<80x128xf32, #tpu.memory_space<vmem>>) target_semaphore(%run_scoped3A : memref<!tpu.dma_semaphore, #tpu.memory_space<semaphore_mem>>)
      tpu.wait_dma2 semaphore(%run_scoped3A : memref<!tpu.dma_semaphore, #tpu.memory_space<semaphore_mem>>) src(%arg3 : memref<80x128xf32, #tpu.memory_space<hbm>>) dst(%arg6 : memref<80x128xf32, #tpu.memory_space<vmem>>)
      tpu.yield
    }) : () -> ()
    %mul3A_1 = arith.constant 80 : i32
    %mul3A_2 = arith.muli %add3A, %mul3A_1 : i32
    "tpu.region"() ({
      %run_scoped3A = tpu.sem_alloc : memref<!tpu.dma_semaphore, #tpu.memory_space<semaphore_mem>>
      %dma_start3A = arith.constant 0 : i32
      %dma_start3A_9 = tpu.memref_slice %arg2[%mul3A_2, %dma_start3A] : memref<2560x128xi32, #tpu.memory_space<hbm>> -> memref<80x128xi32, #tpu.memory_space<hbm>>
      %dma_start3A_10 = arith.constant 0 : i32
      %dma_start3A_11 = tpu.memref_slice %arg2[%mul3A_2, %dma_start3A_10] : memref<2560x128xi32, #tpu.memory_space<hbm>> -> memref<80x128xi32, #tpu.memory_space<hbm>>
      tpu.enqueue_dma source(%dma_start3A_11 : memref<80x128xi32, #tpu.memory_space<hbm>>) target(%arg5 : memref<80x128xi32, #tpu.memory_space<vmem>>) target_semaphore(%run_scoped3A : memref<!tpu.dma_semaphore, #tpu.memory_space<semaphore_mem>>)
      %dma_wait3A = arith.constant 0 : i32
      %dma_wait3A_12 = tpu.memref_slice %arg2[%mul3A_2, %dma_wait3A] : memref<2560x128xi32, #tpu.memory_space<hbm>> -> memref<80x128xi32, #tpu.memory_space<hbm>>
      %dma_wait3A_13 = arith.constant 0 : i32
      %dma_wait3A_14 = tpu.memref_slice %arg2[%mul3A_2, %dma_wait3A_13] : memref<2560x128xi32, #tpu.memory_space<hbm>> -> memref<80x128xi32, #tpu.memory_space<hbm>>
      tpu.wait_dma2 semaphore(%run_scoped3A : memref<!tpu.dma_semaphore, #tpu.memory_space<semaphore_mem>>) src(%dma_wait3A_14 : memref<80x128xi32, #tpu.memory_space<hbm>>) dst(%arg5 : memref<80x128xi32, #tpu.memory_space<vmem>>)
      tpu.yield
    }) : () -> ()
    %broadcast_in_dim3A = arith.constant 1.000000e+00 : f32
    %broadcast_in_dim3A_3 = vector.broadcast %broadcast_in_dim3A : f32 to vector<16xf32>
    %scan3A = arith.constant 0 : i32
    %scan3A_4 = arith.constant 0 : i32
    %scan3A_5 = arith.constant 640 : i32
    %scan3A_6 = arith.addi %scan3A_4, %scan3A_5 : i32
    %scan3A_7 = arith.constant 1 : i32
    scf.for %scan3A_9 = %scan3A_4 to %scan3A_6 step %scan3A_7  : i32 {
      %jit3A = arith.constant 8 : i32
      %div3A = arith.divsi %scan3A_9, %jit3A : i32
      %sign3A = arith.constant 0 : i32
      %sign3A_10 = arith.cmpi sgt, %scan3A_9, %sign3A : i32
      %sign3A_11 = arith.extui %sign3A_10 : i1 to i32
      %sign3A_12 = arith.constant 0 : i32
      %sign3A_13 = arith.cmpi slt, %scan3A_9, %sign3A_12 : i32
      %sign3A_14 = arith.extui %sign3A_13 : i1 to i32
      %sign3A_15 = arith.subi %sign3A_11, %sign3A_14 : i32
      %sign3A_16 = arith.constant 0 : i32
      %sign3A_17 = arith.cmpi sgt, %jit3A, %sign3A_16 : i32
      %sign3A_18 = arith.extui %sign3A_17 : i1 to i32
      %sign3A_19 = arith.constant 0 : i32
      %sign3A_20 = arith.cmpi slt, %jit3A, %sign3A_19 : i32
      %sign3A_21 = arith.extui %sign3A_20 : i1 to i32
      %sign3A_22 = arith.subi %sign3A_18, %sign3A_21 : i32
      %ne3A = arith.cmpi ne, %sign3A_15, %sign3A_22 : i32
      %rem3A = arith.remsi %scan3A_9, %jit3A : i32
      %ne3A_23 = arith.constant 0 : i32
      %ne3A_24 = arith.cmpi ne, %rem3A, %ne3A_23 : i32
      %and3A = arith.andi %ne3A, %ne3A_24 : i1
      %sub3A = arith.constant 1 : i32
      %sub3A_25 = arith.subi %div3A, %sub3A : i32
      %select_n3A = arith.select %and3A, %sub3A_25, %div3A : i32
      %jit3A_26 = arith.constant 8 : i32
      %eq3A = arith.constant 0 : i32
      %eq3A_27 = arith.cmpi eq, %jit3A_26, %eq3A : i32
      %jit3A_28 = arith.constant 1 : i32
      %select_n3A_29 = arith.select %eq3A_27, %jit3A_28, %jit3A_26 : i32
      %rem3A_30 = arith.remsi %scan3A_9, %select_n3A_29 : i32
      %ne3A_31 = arith.constant 0 : i32
      %ne3A_32 = arith.cmpi ne, %rem3A_30, %ne3A_31 : i32
      %lt3A = arith.constant 0 : i32
      %lt3A_33 = arith.cmpi slt, %rem3A_30, %lt3A : i32
      %lt3A_34 = arith.constant 0 : i32
      %lt3A_35 = arith.cmpi slt, %select_n3A_29, %lt3A_34 : i32
      %ne3A_36 = arith.xori %lt3A_33, %lt3A_35 : i1
      %and3A_37 = arith.andi %ne3A_36, %ne3A_32 : i1
      %add3A_38 = arith.addi %rem3A_30, %select_n3A_29 : i32
      %select_n3A_39 = arith.select %and3A_37, %add3A_38, %rem3A_30 : i32
      %mul3A_40 = arith.constant 16 : i32
      %mul3A_41 = arith.muli %select_n3A_39, %mul3A_40 : i32
      %get3A = arith.index_cast %select_n3A : i32 to index
      %get3A_42 = arith.index_cast %mul3A_41 : i32 to index
      %get3A_43 = tpu.vector_load %arg5[%get3A, %get3A_42] {strides = array<i32>} : memref<80x128xi32, #tpu.memory_space<vmem>>, vector<16xi32>,
      %shift_right_arithmetic3A = arith.constant 7 : i32
      %shift_right_arithmetic3A_44 = vector.broadcast %shift_right_arithmetic3A : i32 to vector<16xi32>
      %shift_right_arithmetic3A_45 = arith.shrsi %get3A_43, %shift_right_arithmetic3A_44 : vector<16xi32>
      %and3A_46 = arith.constant 127 : i32
      %and3A_47 = vector.broadcast %and3A_46 : i32 to vector<16xi32>
      %and3A_48 = arith.andi %get3A_43, %and3A_47 : vector<16xi32>
      tpu.vector_store_idx %arg6[%shift_right_arithmetic3A_45, %and3A_48], %broadcast_in_dim3A_3 {add = true} : memref<80x128xf32, #tpu.memory_space<vmem>>[vector<16xi32>, vector<16xi32>], vector<16xf32>,
    }
    %scan3A_8 = arith.constant 640 : i32
    "tpu.region"() ({
      %run_scoped3A = tpu.sem_alloc : memref<!tpu.dma_semaphore, #tpu.memory_space<semaphore_mem>>
      %dma_start3A = arith.constant 0 : i32
      %dma_start3A_9 = arith.constant 0 : i32
      %dma_start3A_10 = tpu.memref_slice %arg4[%add3A, %dma_start3A, %dma_start3A_9] : memref<32x80x128xf32, #tpu.memory_space<hbm>> -> memref<1x80x128xf32, #tpu.memory_space<hbm>>
      %dma_start3A_11 = tpu.memref_squeeze %dma_start3A_10 : memref<1x80x128xf32, #tpu.memory_space<hbm>> -> memref<80x128xf32, #tpu.memory_space<hbm>>
      %dma_start3A_12 = arith.constant 0 : i32
      %dma_start3A_13 = arith.constant 0 : i32
      %dma_start3A_14 = tpu.memref_slice %arg4[%add3A, %dma_start3A_12, %dma_start3A_13] : memref<32x80x128xf32, #tpu.memory_space<hbm>> -> memref<1x80x128xf32, #tpu.memory_space<hbm>>
      %dma_start3A_15 = tpu.memref_squeeze %dma_start3A_14 : memref<1x80x128xf32, #tpu.memory_space<hbm>> -> memref<80x128xf32, #tpu.memory_space<hbm>>
      tpu.enqueue_dma source(%arg6 : memref<80x128xf32, #tpu.memory_space<vmem>>) target(%dma_start3A_15 : memref<80x128xf32, #tpu.memory_space<hbm>>) target_semaphore(%run_scoped3A : memref<!tpu.dma_semaphore, #tpu.memory_space<semaphore_mem>>)
      %dma_wait3A = arith.constant 0 : i32
      %dma_wait3A_16 = arith.constant 0 : i32
      %dma_wait3A_17 = tpu.memref_slice %arg4[%add3A, %dma_wait3A, %dma_wait3A_16] : memref<32x80x128xf32, #tpu.memory_space<hbm>> -> memref<1x80x128xf32, #tpu.memory_space<hbm>>
      %dma_wait3A_18 = tpu.memref_squeeze %dma_wait3A_17 : memref<1x80x128xf32, #tpu.memory_space<hbm>> -> memref<80x128xf32, #tpu.memory_space<hbm>>
      %dma_wait3A_19 = arith.constant 0 : i32
      %dma_wait3A_20 = arith.constant 0 : i32
      %dma_wait3A_21 = tpu.memref_slice %arg4[%add3A, %dma_wait3A_19, %dma_wait3A_20] : memref<32x80x128xf32, #tpu.memory_space<hbm>> -> memref<1x80x128xf32, #tpu.memory_space<hbm>>
      %dma_wait3A_22 = tpu.memref_squeeze %dma_wait3A_21 : memref<1x80x128xf32, #tpu.memory_space<hbm>> -> memref<80x128xf32, #tpu.memory_space<hbm>>
      tpu.wait_dma2 semaphore(%run_scoped3A : memref<!tpu.dma_semaphore, #tpu.memory_space<semaphore_mem>>) src(%arg6 : memref<80x128xf32, #tpu.memory_space<vmem>>) dst(%dma_wait3A_22 : memref<80x128xf32, #tpu.memory_space<hbm>>)
      tpu.yield
    }) : () -> ()
    return
  }
}

#map = affine_map<(d0, d1) -> (0, 0)>
#map1 = affine_map<(d0, d1) -> (0, 0, 0)>
module attributes {stable_mosaic.version = 14 : i64} {
  func.func @_agg_kernel(%arg0: i32, %arg1: i32, %arg2: memref<10240x128xf32, #tpu.memory_space<hbm>>, %arg3: memref<2560x128xi32, #tpu.memory_space<hbm>>, %arg4: memref<2560x128xi32, #tpu.memory_space<hbm>>, %arg5: memref<128x128xf32, #tpu.memory_space<hbm>>, %arg6: memref<2x10240x128xf32, #tpu.memory_space<hbm>>, %arg7: memref<128x128xi32, #tpu.memory_space<vmem>>, %arg8: memref<128x128xi32, #tpu.memory_space<vmem>>, %arg9: memref<128x128xf32, #tpu.memory_space<vmem>>, %arg10: memref<10240x128xf32, #tpu.memory_space<vmem_shared>>, %arg11: memref<!tpu.dma_semaphore, #tpu.memory_space<semaphore_mem>>) attributes {dimension_semantics = [#tpu.dimension_semantics<core_parallel>, #tpu.dimension_semantics<subcore_parallel>], iteration_bounds = array<i64: 2, 16>, scalar_prefetch = 0 : i64, scratch_operands = 5 : i64, tpu.core_type = #tpu.core_type<sc_vector_subcore>, window_params = [{transform_indices = #map}, {transform_indices = #map}, {transform_indices = #map}, {transform_indices = #map}, {transform_indices = #map1}]} {
    %eq3A = arith.constant 0 : i32
    %eq3A_0 = arith.cmpi eq, %arg0, %eq3A : i32
    %convert_element_type3A = arith.extui %eq3A_0 : i1 to i32
    %cond3A = arith.constant 0 : i32
    %cond3A_1 = arith.cmpi ne, %convert_element_type3A, %cond3A : i32
    scf.if %cond3A_1 {
      %mul3A_28 = arith.constant 640 : i32
      %mul3A_29 = arith.muli %arg1, %mul3A_28 : i32
      %add3A = arith.constant 0 : i32
      %add3A_30 = arith.addi %mul3A_29, %add3A : i32
      "tpu.region"() ({
        %run_scoped3A = tpu.sem_alloc : memref<!tpu.dma_semaphore, #tpu.memory_space<semaphore_mem>>
        %dma_start3A = arith.constant 0 : i32
        %dma_start3A_51 = tpu.memref_slice %arg10[%add3A_30, %dma_start3A] : memref<10240x128xf32, #tpu.memory_space<vmem_shared>> -> memref<128x128xf32, #tpu.memory_space<vmem_shared>>
        tpu.enqueue_dma source(%arg5 : memref<128x128xf32, #tpu.memory_space<hbm>>) target(%dma_start3A_51 : memref<128x128xf32, #tpu.memory_space<vmem_shared>>) target_semaphore(%run_scoped3A : memref<!tpu.dma_semaphore, #tpu.memory_space<semaphore_mem>>)
        %dma_wait3A = arith.constant 0 : i32
        %dma_wait3A_52 = tpu.memref_slice %arg10[%add3A_30, %dma_wait3A] : memref<10240x128xf32, #tpu.memory_space<vmem_shared>> -> memref<128x128xf32, #tpu.memory_space<vmem_shared>>
        tpu.wait_dma2 semaphore(%run_scoped3A : memref<!tpu.dma_semaphore, #tpu.memory_space<semaphore_mem>>) src(%arg5 : memref<128x128xf32, #tpu.memory_space<hbm>>) dst(%dma_wait3A_52 : memref<128x128xf32, #tpu.memory_space<vmem_shared>>)
        tpu.yield
      }) : () -> ()
      %mul3A_31 = arith.constant 640 : i32
      %mul3A_32 = arith.muli %arg1, %mul3A_31 : i32
      %add3A_33 = arith.constant 128 : i32
      %add3A_34 = arith.addi %mul3A_32, %add3A_33 : i32
      "tpu.region"() ({
        %run_scoped3A = tpu.sem_alloc : memref<!tpu.dma_semaphore, #tpu.memory_space<semaphore_mem>>
        %dma_start3A = arith.constant 0 : i32
        %dma_start3A_51 = tpu.memref_slice %arg10[%add3A_34, %dma_start3A] : memref<10240x128xf32, #tpu.memory_space<vmem_shared>> -> memref<128x128xf32, #tpu.memory_space<vmem_shared>>
        tpu.enqueue_dma source(%arg5 : memref<128x128xf32, #tpu.memory_space<hbm>>) target(%dma_start3A_51 : memref<128x128xf32, #tpu.memory_space<vmem_shared>>) target_semaphore(%run_scoped3A : memref<!tpu.dma_semaphore, #tpu.memory_space<semaphore_mem>>)
        %dma_wait3A = arith.constant 0 : i32
        %dma_wait3A_52 = tpu.memref_slice %arg10[%add3A_34, %dma_wait3A] : memref<10240x128xf32, #tpu.memory_space<vmem_shared>> -> memref<128x128xf32, #tpu.memory_space<vmem_shared>>
        tpu.wait_dma2 semaphore(%run_scoped3A : memref<!tpu.dma_semaphore, #tpu.memory_space<semaphore_mem>>) src(%arg5 : memref<128x128xf32, #tpu.memory_space<hbm>>) dst(%dma_wait3A_52 : memref<128x128xf32, #tpu.memory_space<vmem_shared>>)
        tpu.yield
      }) : () -> ()
      %mul3A_35 = arith.constant 640 : i32
      %mul3A_36 = arith.muli %arg1, %mul3A_35 : i32
      %add3A_37 = arith.constant 256 : i32
      %add3A_38 = arith.addi %mul3A_36, %add3A_37 : i32
      "tpu.region"() ({
        %run_scoped3A = tpu.sem_alloc : memref<!tpu.dma_semaphore, #tpu.memory_space<semaphore_mem>>
        %dma_start3A = arith.constant 0 : i32
        %dma_start3A_51 = tpu.memref_slice %arg10[%add3A_38, %dma_start3A] : memref<10240x128xf32, #tpu.memory_space<vmem_shared>> -> memref<128x128xf32, #tpu.memory_space<vmem_shared>>
        tpu.enqueue_dma source(%arg5 : memref<128x128xf32, #tpu.memory_space<hbm>>) target(%dma_start3A_51 : memref<128x128xf32, #tpu.memory_space<vmem_shared>>) target_semaphore(%run_scoped3A : memref<!tpu.dma_semaphore, #tpu.memory_space<semaphore_mem>>)
        %dma_wait3A = arith.constant 0 : i32
        %dma_wait3A_52 = tpu.memref_slice %arg10[%add3A_38, %dma_wait3A] : memref<10240x128xf32, #tpu.memory_space<vmem_shared>> -> memref<128x128xf32, #tpu.memory_space<vmem_shared>>
        tpu.wait_dma2 semaphore(%run_scoped3A : memref<!tpu.dma_semaphore, #tpu.memory_space<semaphore_mem>>) src(%arg5 : memref<128x128xf32, #tpu.memory_space<hbm>>) dst(%dma_wait3A_52 : memref<128x128xf32, #tpu.memory_space<vmem_shared>>)
        tpu.yield
      }) : () -> ()
      %mul3A_39 = arith.constant 640 : i32
      %mul3A_40 = arith.muli %arg1, %mul3A_39 : i32
      %add3A_41 = arith.constant 384 : i32
      %add3A_42 = arith.addi %mul3A_40, %add3A_41 : i32
      "tpu.region"() ({
        %run_scoped3A = tpu.sem_alloc : memref<!tpu.dma_semaphore, #tpu.memory_space<semaphore_mem>>
        %dma_start3A = arith.constant 0 : i32
        %dma_start3A_51 = tpu.memref_slice %arg10[%add3A_42, %dma_start3A] : memref<10240x128xf32, #tpu.memory_space<vmem_shared>> -> memref<128x128xf32, #tpu.memory_space<vmem_shared>>
        tpu.enqueue_dma source(%arg5 : memref<128x128xf32, #tpu.memory_space<hbm>>) target(%dma_start3A_51 : memref<128x128xf32, #tpu.memory_space<vmem_shared>>) target_semaphore(%run_scoped3A : memref<!tpu.dma_semaphore, #tpu.memory_space<semaphore_mem>>)
        %dma_wait3A = arith.constant 0 : i32
        %dma_wait3A_52 = tpu.memref_slice %arg10[%add3A_42, %dma_wait3A] : memref<10240x128xf32, #tpu.memory_space<vmem_shared>> -> memref<128x128xf32, #tpu.memory_space<vmem_shared>>
        tpu.wait_dma2 semaphore(%run_scoped3A : memref<!tpu.dma_semaphore, #tpu.memory_space<semaphore_mem>>) src(%arg5 : memref<128x128xf32, #tpu.memory_space<hbm>>) dst(%dma_wait3A_52 : memref<128x128xf32, #tpu.memory_space<vmem_shared>>)
        tpu.yield
      }) : () -> ()
      %mul3A_43 = arith.constant 640 : i32
      %mul3A_44 = arith.muli %arg1, %mul3A_43 : i32
      %add3A_45 = arith.constant 512 : i32
      %add3A_46 = arith.addi %mul3A_44, %add3A_45 : i32
      "tpu.region"() ({
        %run_scoped3A = tpu.sem_alloc : memref<!tpu.dma_semaphore, #tpu.memory_space<semaphore_mem>>
        %dma_start3A = arith.constant 0 : i32
        %dma_start3A_51 = tpu.memref_slice %arg10[%add3A_46, %dma_start3A] : memref<10240x128xf32, #tpu.memory_space<vmem_shared>> -> memref<128x128xf32, #tpu.memory_space<vmem_shared>>
        tpu.enqueue_dma source(%arg5 : memref<128x128xf32, #tpu.memory_space<hbm>>) target(%dma_start3A_51 : memref<128x128xf32, #tpu.memory_space<vmem_shared>>) target_semaphore(%run_scoped3A : memref<!tpu.dma_semaphore, #tpu.memory_space<semaphore_mem>>)
        %dma_wait3A = arith.constant 0 : i32
        %dma_wait3A_52 = tpu.memref_slice %arg10[%add3A_46, %dma_wait3A] : memref<10240x128xf32, #tpu.memory_space<vmem_shared>> -> memref<128x128xf32, #tpu.memory_space<vmem_shared>>
        tpu.wait_dma2 semaphore(%run_scoped3A : memref<!tpu.dma_semaphore, #tpu.memory_space<semaphore_mem>>) src(%arg5 : memref<128x128xf32, #tpu.memory_space<hbm>>) dst(%dma_wait3A_52 : memref<128x128xf32, #tpu.memory_space<vmem_shared>>)
        tpu.yield
      }) : () -> ()
      %mul3A_47 = arith.constant 128 : i32
      %mul3A_48 = arith.muli %arg1, %mul3A_47 : i32
      "tpu.region"() ({
        %run_scoped3A = tpu.sem_alloc : memref<!tpu.dma_semaphore, #tpu.memory_space<semaphore_mem>>
        %dma_start3A = arith.constant 0 : i32
        %dma_start3A_51 = tpu.memref_slice %arg3[%mul3A_48, %dma_start3A] : memref<2560x128xi32, #tpu.memory_space<hbm>> -> memref<128x128xi32, #tpu.memory_space<hbm>>
        %dma_start3A_52 = arith.constant 0 : i32
        %dma_start3A_53 = tpu.memref_slice %arg3[%mul3A_48, %dma_start3A_52] : memref<2560x128xi32, #tpu.memory_space<hbm>> -> memref<128x128xi32, #tpu.memory_space<hbm>>
        tpu.enqueue_dma source(%dma_start3A_53 : memref<128x128xi32, #tpu.memory_space<hbm>>) target(%arg7 : memref<128x128xi32, #tpu.memory_space<vmem>>) target_semaphore(%run_scoped3A : memref<!tpu.dma_semaphore, #tpu.memory_space<semaphore_mem>>)
        %dma_wait3A = arith.constant 0 : i32
        %dma_wait3A_54 = tpu.memref_slice %arg3[%mul3A_48, %dma_wait3A] : memref<2560x128xi32, #tpu.memory_space<hbm>> -> memref<128x128xi32, #tpu.memory_space<hbm>>
        %dma_wait3A_55 = arith.constant 0 : i32
        %dma_wait3A_56 = tpu.memref_slice %arg3[%mul3A_48, %dma_wait3A_55] : memref<2560x128xi32, #tpu.memory_space<hbm>> -> memref<128x128xi32, #tpu.memory_space<hbm>>
        tpu.wait_dma2 semaphore(%run_scoped3A : memref<!tpu.dma_semaphore, #tpu.memory_space<semaphore_mem>>) src(%dma_wait3A_56 : memref<128x128xi32, #tpu.memory_space<hbm>>) dst(%arg7 : memref<128x128xi32, #tpu.memory_space<vmem>>)
        tpu.yield
      }) : () -> ()
      %mul3A_49 = arith.constant 128 : i32
      %mul3A_50 = arith.muli %arg1, %mul3A_49 : i32
      "tpu.region"() ({
        %run_scoped3A = tpu.sem_alloc : memref<!tpu.dma_semaphore, #tpu.memory_space<semaphore_mem>>
        %dma_start3A = arith.constant 0 : i32
        %dma_start3A_51 = tpu.memref_slice %arg4[%mul3A_50, %dma_start3A] : memref<2560x128xi32, #tpu.memory_space<hbm>> -> memref<128x128xi32, #tpu.memory_space<hbm>>
        %dma_start3A_52 = arith.constant 0 : i32
        %dma_start3A_53 = tpu.memref_slice %arg4[%mul3A_50, %dma_start3A_52] : memref<2560x128xi32, #tpu.memory_space<hbm>> -> memref<128x128xi32, #tpu.memory_space<hbm>>
        tpu.enqueue_dma source(%dma_start3A_53 : memref<128x128xi32, #tpu.memory_space<hbm>>) target(%arg8 : memref<128x128xi32, #tpu.memory_space<vmem>>) target_semaphore(%run_scoped3A : memref<!tpu.dma_semaphore, #tpu.memory_space<semaphore_mem>>)
        %dma_wait3A = arith.constant 0 : i32
        %dma_wait3A_54 = tpu.memref_slice %arg4[%mul3A_50, %dma_wait3A] : memref<2560x128xi32, #tpu.memory_space<hbm>> -> memref<128x128xi32, #tpu.memory_space<hbm>>
        %dma_wait3A_55 = arith.constant 0 : i32
        %dma_wait3A_56 = tpu.memref_slice %arg4[%mul3A_50, %dma_wait3A_55] : memref<2560x128xi32, #tpu.memory_space<hbm>> -> memref<128x128xi32, #tpu.memory_space<hbm>>
        tpu.wait_dma2 semaphore(%run_scoped3A : memref<!tpu.dma_semaphore, #tpu.memory_space<semaphore_mem>>) src(%dma_wait3A_56 : memref<128x128xi32, #tpu.memory_space<hbm>>) dst(%arg8 : memref<128x128xi32, #tpu.memory_space<vmem>>)
        tpu.yield
      }) : () -> ()
    } else {
    }
    %eq3A_2 = arith.constant 1 : i32
    %eq3A_3 = arith.cmpi eq, %arg0, %eq3A_2 : i32
    %convert_element_type3A_4 = arith.extui %eq3A_3 : i1 to i32
    %cond3A_5 = arith.constant 0 : i32
    %cond3A_6 = arith.cmpi ne, %convert_element_type3A_4, %cond3A_5 : i32
    scf.if %cond3A_6 {
      %broadcast_in_dim3A = arith.constant 0.000000e+00 : f32
      %broadcast_in_dim3A_28 = vector.broadcast %broadcast_in_dim3A : f32 to vector<16xf32>
      %scan3A = arith.constant 0 : i32
      %scan3A_29 = arith.constant 0 : i32
      %scan3A_30 = arith.constant 1024 : i32
      %scan3A_31 = arith.addi %scan3A_29, %scan3A_30 : i32
      %scan3A_32 = arith.constant 1 : i32
      scf.for %scan3A_53 = %scan3A_29 to %scan3A_31 step %scan3A_32  : i32 {
        %jit3A_54 = arith.constant 8 : i32
        %div3A = arith.divsi %scan3A_53, %jit3A_54 : i32
        %sign3A = arith.constant 0 : i32
        %sign3A_55 = arith.cmpi sgt, %scan3A_53, %sign3A : i32
        %sign3A_56 = arith.extui %sign3A_55 : i1 to i32
        %sign3A_57 = arith.constant 0 : i32
        %sign3A_58 = arith.cmpi slt, %scan3A_53, %sign3A_57 : i32
        %sign3A_59 = arith.extui %sign3A_58 : i1 to i32
        %sign3A_60 = arith.subi %sign3A_56, %sign3A_59 : i32
        %sign3A_61 = arith.constant 0 : i32
        %sign3A_62 = arith.cmpi sgt, %jit3A_54, %sign3A_61 : i32
        %sign3A_63 = arith.extui %sign3A_62 : i1 to i32
        %sign3A_64 = arith.constant 0 : i32
        %sign3A_65 = arith.cmpi slt, %jit3A_54, %sign3A_64 : i32
        %sign3A_66 = arith.extui %sign3A_65 : i1 to i32
        %sign3A_67 = arith.subi %sign3A_63, %sign3A_66 : i32
        %ne3A = arith.cmpi ne, %sign3A_60, %sign3A_67 : i32
        %rem3A = arith.remsi %scan3A_53, %jit3A_54 : i32
        %ne3A_68 = arith.constant 0 : i32
        %ne3A_69 = arith.cmpi ne, %rem3A, %ne3A_68 : i32
        %and3A = arith.andi %ne3A, %ne3A_69 : i1
        %sub3A = arith.constant 1 : i32
        %sub3A_70 = arith.subi %div3A, %sub3A : i32
        %select_n3A_71 = arith.select %and3A, %sub3A_70, %div3A : i32
        %jit3A_72 = arith.constant 8 : i32
        %eq3A_73 = arith.constant 0 : i32
        %eq3A_74 = arith.cmpi eq, %jit3A_72, %eq3A_73 : i32
        %jit3A_75 = arith.constant 1 : i32
        %select_n3A_76 = arith.select %eq3A_74, %jit3A_75, %jit3A_72 : i32
        %rem3A_77 = arith.remsi %scan3A_53, %select_n3A_76 : i32
        %ne3A_78 = arith.constant 0 : i32
        %ne3A_79 = arith.cmpi ne, %rem3A_77, %ne3A_78 : i32
        %lt3A = arith.constant 0 : i32
        %lt3A_80 = arith.cmpi slt, %rem3A_77, %lt3A : i32
        %lt3A_81 = arith.constant 0 : i32
        %lt3A_82 = arith.cmpi slt, %select_n3A_76, %lt3A_81 : i32
        %ne3A_83 = arith.xori %lt3A_80, %lt3A_82 : i1
        %and3A_84 = arith.andi %ne3A_83, %ne3A_79 : i1
        %add3A_85 = arith.addi %rem3A_77, %select_n3A_76 : i32
        %select_n3A_86 = arith.select %and3A_84, %add3A_85, %rem3A_77 : i32
        %mul3A_87 = arith.constant 16 : i32
        %mul3A_88 = arith.muli %select_n3A_86, %mul3A_87 : i32
        %swap3A = arith.index_cast %select_n3A_71 : i32 to index
        %swap3A_89 = arith.index_cast %mul3A_88 : i32 to index
        %swap3A_90 = tpu.vector_load %arg9[%swap3A, %swap3A_89] {strides = array<i32>} : memref<128x128xf32, #tpu.memory_space<vmem>>, vector<1x16xf32>,
        %swap3A_91 = vector.shape_cast %swap3A_90 : vector<1x16xf32> to vector<16xf32>
        %swap3A_92 = vector.shape_cast %broadcast_in_dim3A_28 : vector<16xf32> to vector<1x16xf32>
        tpu.vector_store %arg9[%swap3A, %swap3A_89], %swap3A_92 {strides = array<i32>} : memref<128x128xf32, #tpu.memory_space<vmem>>, vector<1x16xf32>,
      }
      %scan3A_33 = arith.constant 1024 : i32
      %mul3A_34 = arith.constant 640 : i32
      %mul3A_35 = arith.muli %arg1, %mul3A_34 : i32
      %add3A = arith.constant 0 : i32
      %add3A_36 = arith.addi %mul3A_35, %add3A : i32
      "tpu.region"() ({
        %run_scoped3A = tpu.sem_alloc : memref<!tpu.dma_semaphore, #tpu.memory_space<semaphore_mem>>
        %dma_start3A = arith.constant 0 : i32
        %dma_start3A_53 = tpu.memref_slice %arg10[%add3A_36, %dma_start3A] : memref<10240x128xf32, #tpu.memory_space<vmem_shared>> -> memref<128x128xf32, #tpu.memory_space<vmem_shared>>
        %dma_start3A_54 = arith.constant 0 : i32
        %dma_start3A_55 = tpu.memref_slice %arg10[%add3A_36, %dma_start3A_54] : memref<10240x128xf32, #tpu.memory_space<vmem_shared>> -> memref<128x128xf32, #tpu.memory_space<vmem_shared>>
        tpu.enqueue_dma source(%arg9 : memref<128x128xf32, #tpu.memory_space<vmem>>) target(%dma_start3A_55 : memref<128x128xf32, #tpu.memory_space<vmem_shared>>) target_semaphore(%run_scoped3A : memref<!tpu.dma_semaphore, #tpu.memory_space<semaphore_mem>>)
        %dma_wait3A = arith.constant 0 : i32
        %dma_wait3A_56 = tpu.memref_slice %arg10[%add3A_36, %dma_wait3A] : memref<10240x128xf32, #tpu.memory_space<vmem_shared>> -> memref<128x128xf32, #tpu.memory_space<vmem_shared>>
        %dma_wait3A_57 = arith.constant 0 : i32
        %dma_wait3A_58 = tpu.memref_slice %arg10[%add3A_36, %dma_wait3A_57] : memref<10240x128xf32, #tpu.memory_space<vmem_shared>> -> memref<128x128xf32, #tpu.memory_space<vmem_shared>>
        tpu.wait_dma2 semaphore(%run_scoped3A : memref<!tpu.dma_semaphore, #tpu.memory_space<semaphore_mem>>) src(%arg9 : memref<128x128xf32, #tpu.memory_space<vmem>>) dst(%dma_wait3A_58 : memref<128x128xf32, #tpu.memory_space<vmem_shared>>)
        tpu.yield
      }) : () -> ()
      %mul3A_37 = arith.constant 640 : i32
      %mul3A_38 = arith.muli %arg1, %mul3A_37 : i32
      %add3A_39 = arith.constant 128 : i32
      %add3A_40 = arith.addi %mul3A_38, %add3A_39 : i32
      "tpu.region"() ({
        %run_scoped3A = tpu.sem_alloc : memref<!tpu.dma_semaphore, #tpu.memory_space<semaphore_mem>>
        %dma_start3A = arith.constant 0 : i32
        %dma_start3A_53 = tpu.memref_slice %arg10[%add3A_40, %dma_start3A] : memref<10240x128xf32, #tpu.memory_space<vmem_shared>> -> memref<128x128xf32, #tpu.memory_space<vmem_shared>>
        %dma_start3A_54 = arith.constant 0 : i32
        %dma_start3A_55 = tpu.memref_slice %arg10[%add3A_40, %dma_start3A_54] : memref<10240x128xf32, #tpu.memory_space<vmem_shared>> -> memref<128x128xf32, #tpu.memory_space<vmem_shared>>
        tpu.enqueue_dma source(%arg9 : memref<128x128xf32, #tpu.memory_space<vmem>>) target(%dma_start3A_55 : memref<128x128xf32, #tpu.memory_space<vmem_shared>>) target_semaphore(%run_scoped3A : memref<!tpu.dma_semaphore, #tpu.memory_space<semaphore_mem>>)
        %dma_wait3A = arith.constant 0 : i32
        %dma_wait3A_56 = tpu.memref_slice %arg10[%add3A_40, %dma_wait3A] : memref<10240x128xf32, #tpu.memory_space<vmem_shared>> -> memref<128x128xf32, #tpu.memory_space<vmem_shared>>
        %dma_wait3A_57 = arith.constant 0 : i32
        %dma_wait3A_58 = tpu.memref_slice %arg10[%add3A_40, %dma_wait3A_57] : memref<10240x128xf32, #tpu.memory_space<vmem_shared>> -> memref<128x128xf32, #tpu.memory_space<vmem_shared>>
        tpu.wait_dma2 semaphore(%run_scoped3A : memref<!tpu.dma_semaphore, #tpu.memory_space<semaphore_mem>>) src(%arg9 : memref<128x128xf32, #tpu.memory_space<vmem>>) dst(%dma_wait3A_58 : memref<128x128xf32, #tpu.memory_space<vmem_shared>>)
        tpu.yield
      }) : () -> ()
      %mul3A_41 = arith.constant 640 : i32
      %mul3A_42 = arith.muli %arg1, %mul3A_41 : i32
      %add3A_43 = arith.constant 256 : i32
      %add3A_44 = arith.addi %mul3A_42, %add3A_43 : i32
      "tpu.region"() ({
        %run_scoped3A = tpu.sem_alloc : memref<!tpu.dma_semaphore, #tpu.memory_space<semaphore_mem>>
        %dma_start3A = arith.constant 0 : i32
        %dma_start3A_53 = tpu.memref_slice %arg10[%add3A_44, %dma_start3A] : memref<10240x128xf32, #tpu.memory_space<vmem_shared>> -> memref<128x128xf32, #tpu.memory_space<vmem_shared>>
        %dma_start3A_54 = arith.constant 0 : i32
        %dma_start3A_55 = tpu.memref_slice %arg10[%add3A_44, %dma_start3A_54] : memref<10240x128xf32, #tpu.memory_space<vmem_shared>> -> memref<128x128xf32, #tpu.memory_space<vmem_shared>>
        tpu.enqueue_dma source(%arg9 : memref<128x128xf32, #tpu.memory_space<vmem>>) target(%dma_start3A_55 : memref<128x128xf32, #tpu.memory_space<vmem_shared>>) target_semaphore(%run_scoped3A : memref<!tpu.dma_semaphore, #tpu.memory_space<semaphore_mem>>)
        %dma_wait3A = arith.constant 0 : i32
        %dma_wait3A_56 = tpu.memref_slice %arg10[%add3A_44, %dma_wait3A] : memref<10240x128xf32, #tpu.memory_space<vmem_shared>> -> memref<128x128xf32, #tpu.memory_space<vmem_shared>>
        %dma_wait3A_57 = arith.constant 0 : i32
        %dma_wait3A_58 = tpu.memref_slice %arg10[%add3A_44, %dma_wait3A_57] : memref<10240x128xf32, #tpu.memory_space<vmem_shared>> -> memref<128x128xf32, #tpu.memory_space<vmem_shared>>
        tpu.wait_dma2 semaphore(%run_scoped3A : memref<!tpu.dma_semaphore, #tpu.memory_space<semaphore_mem>>) src(%arg9 : memref<128x128xf32, #tpu.memory_space<vmem>>) dst(%dma_wait3A_58 : memref<128x128xf32, #tpu.memory_space<vmem_shared>>)
        tpu.yield
      }) : () -> ()
      %mul3A_45 = arith.constant 640 : i32
      %mul3A_46 = arith.muli %arg1, %mul3A_45 : i32
      %add3A_47 = arith.constant 384 : i32
      %add3A_48 = arith.addi %mul3A_46, %add3A_47 : i32
      "tpu.region"() ({
        %run_scoped3A = tpu.sem_alloc : memref<!tpu.dma_semaphore, #tpu.memory_space<semaphore_mem>>
        %dma_start3A = arith.constant 0 : i32
        %dma_start3A_53 = tpu.memref_slice %arg10[%add3A_48, %dma_start3A] : memref<10240x128xf32, #tpu.memory_space<vmem_shared>> -> memref<128x128xf32, #tpu.memory_space<vmem_shared>>
        %dma_start3A_54 = arith.constant 0 : i32
        %dma_start3A_55 = tpu.memref_slice %arg10[%add3A_48, %dma_start3A_54] : memref<10240x128xf32, #tpu.memory_space<vmem_shared>> -> memref<128x128xf32, #tpu.memory_space<vmem_shared>>
        tpu.enqueue_dma source(%arg9 : memref<128x128xf32, #tpu.memory_space<vmem>>) target(%dma_start3A_55 : memref<128x128xf32, #tpu.memory_space<vmem_shared>>) target_semaphore(%run_scoped3A : memref<!tpu.dma_semaphore, #tpu.memory_space<semaphore_mem>>)
        %dma_wait3A = arith.constant 0 : i32
        %dma_wait3A_56 = tpu.memref_slice %arg10[%add3A_48, %dma_wait3A] : memref<10240x128xf32, #tpu.memory_space<vmem_shared>> -> memref<128x128xf32, #tpu.memory_space<vmem_shared>>
        %dma_wait3A_57 = arith.constant 0 : i32
        %dma_wait3A_58 = tpu.memref_slice %arg10[%add3A_48, %dma_wait3A_57] : memref<10240x128xf32, #tpu.memory_space<vmem_shared>> -> memref<128x128xf32, #tpu.memory_space<vmem_shared>>
        tpu.wait_dma2 semaphore(%run_scoped3A : memref<!tpu.dma_semaphore, #tpu.memory_space<semaphore_mem>>) src(%arg9 : memref<128x128xf32, #tpu.memory_space<vmem>>) dst(%dma_wait3A_58 : memref<128x128xf32, #tpu.memory_space<vmem_shared>>)
        tpu.yield
      }) : () -> ()
      %mul3A_49 = arith.constant 640 : i32
      %mul3A_50 = arith.muli %arg1, %mul3A_49 : i32
      %add3A_51 = arith.constant 512 : i32
      %add3A_52 = arith.addi %mul3A_50, %add3A_51 : i32
      "tpu.region"() ({
        %run_scoped3A = tpu.sem_alloc : memref<!tpu.dma_semaphore, #tpu.memory_space<semaphore_mem>>
        %dma_start3A = arith.constant 0 : i32
        %dma_start3A_53 = tpu.memref_slice %arg10[%add3A_52, %dma_start3A] : memref<10240x128xf32, #tpu.memory_space<vmem_shared>> -> memref<128x128xf32, #tpu.memory_space<vmem_shared>>
        %dma_start3A_54 = arith.constant 0 : i32
        %dma_start3A_55 = tpu.memref_slice %arg10[%add3A_52, %dma_start3A_54] : memref<10240x128xf32, #tpu.memory_space<vmem_shared>> -> memref<128x128xf32, #tpu.memory_space<vmem_shared>>
        tpu.enqueue_dma source(%arg9 : memref<128x128xf32, #tpu.memory_space<vmem>>) target(%dma_start3A_55 : memref<128x128xf32, #tpu.memory_space<vmem_shared>>) target_semaphore(%run_scoped3A : memref<!tpu.dma_semaphore, #tpu.memory_space<semaphore_mem>>)
        %dma_wait3A = arith.constant 0 : i32
        %dma_wait3A_56 = tpu.memref_slice %arg10[%add3A_52, %dma_wait3A] : memref<10240x128xf32, #tpu.memory_space<vmem_shared>> -> memref<128x128xf32, #tpu.memory_space<vmem_shared>>
        %dma_wait3A_57 = arith.constant 0 : i32
        %dma_wait3A_58 = tpu.memref_slice %arg10[%add3A_52, %dma_wait3A_57] : memref<10240x128xf32, #tpu.memory_space<vmem_shared>> -> memref<128x128xf32, #tpu.memory_space<vmem_shared>>
        tpu.wait_dma2 semaphore(%run_scoped3A : memref<!tpu.dma_semaphore, #tpu.memory_space<semaphore_mem>>) src(%arg9 : memref<128x128xf32, #tpu.memory_space<vmem>>) dst(%dma_wait3A_58 : memref<128x128xf32, #tpu.memory_space<vmem_shared>>)
        tpu.yield
      }) : () -> ()
    } else {
    }
    %eq3A_7 = arith.constant 1 : i32
    %eq3A_8 = arith.cmpi eq, %arg0, %eq3A_7 : i32
    %convert_element_type3A_9 = arith.extui %eq3A_8 : i1 to i32
    %cond3A_10 = arith.constant 0 : i32
    %cond3A_11 = arith.cmpi ne, %convert_element_type3A_9, %cond3A_10 : i32
    scf.if %cond3A_11 {
      %mul3A_28 = arith.constant 32 : i32
      %mul3A_29 = arith.muli %arg1, %mul3A_28 : i32
      %add3A = arith.constant 2048 : i32
      %add3A_30 = arith.addi %add3A, %mul3A_29 : i32
      "tpu.region"() ({
        %run_scoped3A = tpu.sem_alloc : memref<!tpu.dma_semaphore, #tpu.memory_space<semaphore_mem>>
        %dma_start3A = arith.constant 0 : i32
        %dma_start3A_31 = arith.constant 0 : i32
        %dma_start3A_32 = tpu.memref_slice %arg7[%dma_start3A, %dma_start3A_31] : memref<128x128xi32, #tpu.memory_space<vmem>> -> memref<32x128xi32, #tpu.memory_space<vmem>>
        %dma_start3A_33 = arith.constant 0 : i32
        %dma_start3A_34 = tpu.memref_slice %arg3[%add3A_30, %dma_start3A_33] : memref<2560x128xi32, #tpu.memory_space<hbm>> -> memref<32x128xi32, #tpu.memory_space<hbm>>
        %dma_start3A_35 = arith.constant 0 : i32
        %dma_start3A_36 = arith.constant 0 : i32
        %dma_start3A_37 = tpu.memref_slice %arg7[%dma_start3A_35, %dma_start3A_36] : memref<128x128xi32, #tpu.memory_space<vmem>> -> memref<32x128xi32, #tpu.memory_space<vmem>>
        %dma_start3A_38 = arith.constant 0 : i32
        %dma_start3A_39 = tpu.memref_slice %arg3[%add3A_30, %dma_start3A_38] : memref<2560x128xi32, #tpu.memory_space<hbm>> -> memref<32x128xi32, #tpu.memory_space<hbm>>
        tpu.enqueue_dma source(%dma_start3A_39 : memref<32x128xi32, #tpu.memory_space<hbm>>) target(%dma_start3A_37 : memref<32x128xi32, #tpu.memory_space<vmem>>) target_semaphore(%run_scoped3A : memref<!tpu.dma_semaphore, #tpu.memory_space<semaphore_mem>>)
        %dma_wait3A = arith.constant 0 : i32
        %dma_wait3A_40 = arith.constant 0 : i32
        %dma_wait3A_41 = tpu.memref_slice %arg7[%dma_wait3A, %dma_wait3A_40] : memref<128x128xi32, #tpu.memory_space<vmem>> -> memref<32x128xi32, #tpu.memory_space<vmem>>
        %dma_wait3A_42 = arith.constant 0 : i32
        %dma_wait3A_43 = tpu.memref_slice %arg3[%add3A_30, %dma_wait3A_42] : memref<2560x128xi32, #tpu.memory_space<hbm>> -> memref<32x128xi32, #tpu.memory_space<hbm>>
        %dma_wait3A_44 = arith.constant 0 : i32
        %dma_wait3A_45 = arith.constant 0 : i32
        %dma_wait3A_46 = tpu.memref_slice %arg7[%dma_wait3A_44, %dma_wait3A_45] : memref<128x128xi32, #tpu.memory_space<vmem>> -> memref<32x128xi32, #tpu.memory_space<vmem>>
        %dma_wait3A_47 = arith.constant 0 : i32
        %dma_wait3A_48 = tpu.memref_slice %arg3[%add3A_30, %dma_wait3A_47] : memref<2560x128xi32, #tpu.memory_space<hbm>> -> memref<32x128xi32, #tpu.memory_space<hbm>>
        tpu.wait_dma2 semaphore(%run_scoped3A : memref<!tpu.dma_semaphore, #tpu.memory_space<semaphore_mem>>) src(%dma_wait3A_48 : memref<32x128xi32, #tpu.memory_space<hbm>>) dst(%dma_wait3A_46 : memref<32x128xi32, #tpu.memory_space<vmem>>)
        tpu.yield
      }) : () -> ()
      "tpu.region"() ({
        %run_scoped3A = tpu.sem_alloc : memref<!tpu.dma_semaphore, #tpu.memory_space<semaphore_mem>>
        %dma_start3A = arith.constant 0 : i32
        %dma_start3A_31 = arith.constant 0 : i32
        %dma_start3A_32 = tpu.memref_slice %arg8[%dma_start3A, %dma_start3A_31] : memref<128x128xi32, #tpu.memory_space<vmem>> -> memref<32x128xi32, #tpu.memory_space<vmem>>
        %dma_start3A_33 = arith.constant 0 : i32
        %dma_start3A_34 = tpu.memref_slice %arg4[%add3A_30, %dma_start3A_33] : memref<2560x128xi32, #tpu.memory_space<hbm>> -> memref<32x128xi32, #tpu.memory_space<hbm>>
        %dma_start3A_35 = arith.constant 0 : i32
        %dma_start3A_36 = arith.constant 0 : i32
        %dma_start3A_37 = tpu.memref_slice %arg8[%dma_start3A_35, %dma_start3A_36] : memref<128x128xi32, #tpu.memory_space<vmem>> -> memref<32x128xi32, #tpu.memory_space<vmem>>
        %dma_start3A_38 = arith.constant 0 : i32
        %dma_start3A_39 = tpu.memref_slice %arg4[%add3A_30, %dma_start3A_38] : memref<2560x128xi32, #tpu.memory_space<hbm>> -> memref<32x128xi32, #tpu.memory_space<hbm>>
        tpu.enqueue_dma source(%dma_start3A_39 : memref<32x128xi32, #tpu.memory_space<hbm>>) target(%dma_start3A_37 : memref<32x128xi32, #tpu.memory_space<vmem>>) target_semaphore(%run_scoped3A : memref<!tpu.dma_semaphore, #tpu.memory_space<semaphore_mem>>)
        %dma_wait3A = arith.constant 0 : i32
        %dma_wait3A_40 = arith.constant 0 : i32
        %dma_wait3A_41 = tpu.memref_slice %arg8[%dma_wait3A, %dma_wait3A_40] : memref<128x128xi32, #tpu.memory_space<vmem>> -> memref<32x128xi32, #tpu.memory_space<vmem>>
        %dma_wait3A_42 = arith.constant 0 : i32
        %dma_wait3A_43 = tpu.memref_slice %arg4[%add3A_30, %dma_wait3A_42] : memref<2560x128xi32, #tpu.memory_space<hbm>> -> memref<32x128xi32, #tpu.memory_space<hbm>>
        %dma_wait3A_44 = arith.constant 0 : i32
        %dma_wait3A_45 = arith.constant 0 : i32
        %dma_wait3A_46 = tpu.memref_slice %arg8[%dma_wait3A_44, %dma_wait3A_45] : memref<128x128xi32, #tpu.memory_space<vmem>> -> memref<32x128xi32, #tpu.memory_space<vmem>>
        %dma_wait3A_47 = arith.constant 0 : i32
        %dma_wait3A_48 = tpu.memref_slice %arg4[%add3A_30, %dma_wait3A_47] : memref<2560x128xi32, #tpu.memory_space<hbm>> -> memref<32x128xi32, #tpu.memory_space<hbm>>
        tpu.wait_dma2 semaphore(%run_scoped3A : memref<!tpu.dma_semaphore, #tpu.memory_space<semaphore_mem>>) src(%dma_wait3A_48 : memref<32x128xi32, #tpu.memory_space<hbm>>) dst(%dma_wait3A_46 : memref<32x128xi32, #tpu.memory_space<vmem>>)
        tpu.yield
      }) : () -> ()
    } else {
    }
    %barrier3A = arith.constant 0 : index
    tpu.barrier barrier_id(%barrier3A)
    %eq3A_12 = arith.constant 0 : i32
    %eq3A_13 = arith.cmpi eq, %arg0, %eq3A_12 : i32
    %jit3A = arith.constant 128 : i32
    %jit3A_14 = arith.constant 32 : i32
    %select_n3A = arith.select %eq3A_13, %jit3A, %jit3A_14 : i32
    %while3A = arith.constant 0 : i32
    %while3A_15 = arith.constant 0 : i32
    %while3A_16 = arith.subi %select_n3A, %while3A_15 : i32
    %while3A_17 = arith.addi %while3A_15, %while3A_16 : i32
    %while3A_18 = arith.constant 1 : i32
    %while3A_19 = arith.divsi %while3A_16, %while3A_18 : i32
    %while3A_20 = arith.muli %while3A_19, %while3A_18 : i32
    %while3A_21 = arith.addi %while3A_15, %while3A_20 : i32
    %while3A_22 = arith.constant 1 : i32
    scf.for %while3A_28 = %while3A_15 to %while3A_21 step %while3A_22  : i32 {
      %dma_start3A = arith.constant 0 : i32
      %dma_start3A_29 = tpu.memref_slice %arg7[%while3A_28, %dma_start3A] : memref<128x128xi32, #tpu.memory_space<vmem>> -> memref<1x128xi32, #tpu.memory_space<vmem>>
      %dma_start3A_30 = tpu.memref_squeeze %dma_start3A_29 : memref<1x128xi32, #tpu.memory_space<vmem>> -> memref<128xi32, #tpu.memory_space<vmem>>
      %dma_start3A_31 = arith.constant 0 : i32
      %dma_start3A_32 = arith.constant 0 : i32
      %dma_start3A_33 = tpu.memref_slice %arg2[%dma_start3A_31, %dma_start3A_32] : memref<10240x128xf32, #tpu.memory_space<hbm>> -> memref<10240x128xf32, #tpu.memory_space<hbm>>
      tpu.enqueue_indirect_dma source(%dma_start3A_33 : memref<10240x128xf32, #tpu.memory_space<hbm>>) target(%arg9 : memref<128x128xf32, #tpu.memory_space<vmem>>) offsets(%dma_start3A_30 : memref<128xi32, #tpu.memory_space<vmem>>) semaphore(%arg11 : memref<!tpu.dma_semaphore, #tpu.memory_space<semaphore_mem>>)
      %dma_wait3A = arith.constant 0 : i32
      %dma_wait3A_34 = tpu.memref_slice %arg7[%while3A_28, %dma_wait3A] : memref<128x128xi32, #tpu.memory_space<vmem>> -> memref<1x128xi32, #tpu.memory_space<vmem>>
      %dma_wait3A_35 = tpu.memref_squeeze %dma_wait3A_34 : memref<1x128xi32, #tpu.memory_space<vmem>> -> memref<128xi32, #tpu.memory_space<vmem>>
      %dma_wait3A_36 = arith.constant 0 : i32
      %dma_wait3A_37 = arith.constant 0 : i32
      %dma_wait3A_38 = tpu.memref_slice %arg2[%dma_wait3A_36, %dma_wait3A_37] : memref<10240x128xf32, #tpu.memory_space<hbm>> -> memref<10240x128xf32, #tpu.memory_space<hbm>>
      tpu.wait_indirect_dma semaphore(%arg11 : memref<!tpu.dma_semaphore, #tpu.memory_space<semaphore_mem>>) src(%dma_wait3A_38 : memref<10240x128xf32, #tpu.memory_space<hbm>>) dst(%arg9 : memref<128x128xf32, #tpu.memory_space<vmem>>)
      "tpu.region"() ({
        %run_scoped3A = tpu.sem_alloc : memref<!tpu.dma_semaphore, #tpu.memory_space<semaphore_mem>>
        %dma_start3A_39 = arith.constant 0 : i32
        %dma_start3A_40 = tpu.memref_slice %arg8[%while3A_28, %dma_start3A_39] : memref<128x128xi32, #tpu.memory_space<vmem>> -> memref<1x128xi32, #tpu.memory_space<vmem>>
        %dma_start3A_41 = tpu.memref_squeeze %dma_start3A_40 : memref<1x128xi32, #tpu.memory_space<vmem>> -> memref<128xi32, #tpu.memory_space<vmem>>
        %dma_start3A_42 = arith.constant 0 : i32
        %dma_start3A_43 = arith.constant 0 : i32
        %dma_start3A_44 = tpu.memref_slice %arg10[%dma_start3A_42, %dma_start3A_43] : memref<10240x128xf32, #tpu.memory_space<vmem_shared>> -> memref<10240x128xf32, #tpu.memory_space<vmem_shared>>
        tpu.enqueue_indirect_dma source(%arg9 : memref<128x128xf32, #tpu.memory_space<vmem>>) target(%dma_start3A_44 : memref<10240x128xf32, #tpu.memory_space<vmem_shared>>) offsets(%dma_start3A_41 : memref<128xi32, #tpu.memory_space<vmem>>) semaphore(%run_scoped3A : memref<!tpu.dma_semaphore, #tpu.memory_space<semaphore_mem>>) {add = true}
        %dma_wait3A_45 = arith.constant 0 : i32
        %dma_wait3A_46 = tpu.memref_slice %arg8[%while3A_28, %dma_wait3A_45] : memref<128x128xi32, #tpu.memory_space<vmem>> -> memref<1x128xi32, #tpu.memory_space<vmem>>
        %dma_wait3A_47 = tpu.memref_squeeze %dma_wait3A_46 : memref<1x128xi32, #tpu.memory_space<vmem>> -> memref<128xi32, #tpu.memory_space<vmem>>
        %dma_wait3A_48 = arith.constant 0 : i32
        %dma_wait3A_49 = arith.constant 0 : i32
        %dma_wait3A_50 = tpu.memref_slice %arg10[%dma_wait3A_48, %dma_wait3A_49] : memref<10240x128xf32, #tpu.memory_space<vmem_shared>> -> memref<10240x128xf32, #tpu.memory_space<vmem_shared>>
        tpu.wait_indirect_dma semaphore(%run_scoped3A : memref<!tpu.dma_semaphore, #tpu.memory_space<semaphore_mem>>) src(%arg9 : memref<128x128xf32, #tpu.memory_space<vmem>>) dst(%dma_wait3A_50 : memref<10240x128xf32, #tpu.memory_space<vmem_shared>>)
        tpu.yield
      }) : () -> ()
    }
    %while3A_23 = arith.constant 1 : i32
    scf.for %while3A_28 = %while3A_21 to %while3A_17 step %while3A_23  : i32 {
      %dma_start3A = arith.constant 0 : i32
      %dma_start3A_29 = tpu.memref_slice %arg7[%while3A_28, %dma_start3A] : memref<128x128xi32, #tpu.memory_space<vmem>> -> memref<1x128xi32, #tpu.memory_space<vmem>>
      %dma_start3A_30 = tpu.memref_squeeze %dma_start3A_29 : memref<1x128xi32, #tpu.memory_space<vmem>> -> memref<128xi32, #tpu.memory_space<vmem>>
      %dma_start3A_31 = arith.constant 0 : i32
      %dma_start3A_32 = arith.constant 0 : i32
      %dma_start3A_33 = tpu.memref_slice %arg2[%dma_start3A_31, %dma_start3A_32] : memref<10240x128xf32, #tpu.memory_space<hbm>> -> memref<10240x128xf32, #tpu.memory_space<hbm>>
      tpu.enqueue_indirect_dma source(%dma_start3A_33 : memref<10240x128xf32, #tpu.memory_space<hbm>>) target(%arg9 : memref<128x128xf32, #tpu.memory_space<vmem>>) offsets(%dma_start3A_30 : memref<128xi32, #tpu.memory_space<vmem>>) semaphore(%arg11 : memref<!tpu.dma_semaphore, #tpu.memory_space<semaphore_mem>>)
      %dma_wait3A = arith.constant 0 : i32
      %dma_wait3A_34 = tpu.memref_slice %arg7[%while3A_28, %dma_wait3A] : memref<128x128xi32, #tpu.memory_space<vmem>> -> memref<1x128xi32, #tpu.memory_space<vmem>>
      %dma_wait3A_35 = tpu.memref_squeeze %dma_wait3A_34 : memref<1x128xi32, #tpu.memory_space<vmem>> -> memref<128xi32, #tpu.memory_space<vmem>>
      %dma_wait3A_36 = arith.constant 0 : i32
      %dma_wait3A_37 = arith.constant 0 : i32
      %dma_wait3A_38 = tpu.memref_slice %arg2[%dma_wait3A_36, %dma_wait3A_37] : memref<10240x128xf32, #tpu.memory_space<hbm>> -> memref<10240x128xf32, #tpu.memory_space<hbm>>
      tpu.wait_indirect_dma semaphore(%arg11 : memref<!tpu.dma_semaphore, #tpu.memory_space<semaphore_mem>>) src(%dma_wait3A_38 : memref<10240x128xf32, #tpu.memory_space<hbm>>) dst(%arg9 : memref<128x128xf32, #tpu.memory_space<vmem>>)
      "tpu.region"() ({
        %run_scoped3A = tpu.sem_alloc : memref<!tpu.dma_semaphore, #tpu.memory_space<semaphore_mem>>
        %dma_start3A_39 = arith.constant 0 : i32
        %dma_start3A_40 = tpu.memref_slice %arg8[%while3A_28, %dma_start3A_39] : memref<128x128xi32, #tpu.memory_space<vmem>> -> memref<1x128xi32, #tpu.memory_space<vmem>>
        %dma_start3A_41 = tpu.memref_squeeze %dma_start3A_40 : memref<1x128xi32, #tpu.memory_space<vmem>> -> memref<128xi32, #tpu.memory_space<vmem>>
        %dma_start3A_42 = arith.constant 0 : i32
        %dma_start3A_43 = arith.constant 0 : i32
        %dma_start3A_44 = tpu.memref_slice %arg10[%dma_start3A_42, %dma_start3A_43] : memref<10240x128xf32, #tpu.memory_space<vmem_shared>> -> memref<10240x128xf32, #tpu.memory_space<vmem_shared>>
        tpu.enqueue_indirect_dma source(%arg9 : memref<128x128xf32, #tpu.memory_space<vmem>>) target(%dma_start3A_44 : memref<10240x128xf32, #tpu.memory_space<vmem_shared>>) offsets(%dma_start3A_41 : memref<128xi32, #tpu.memory_space<vmem>>) semaphore(%run_scoped3A : memref<!tpu.dma_semaphore, #tpu.memory_space<semaphore_mem>>) {add = true}
        %dma_wait3A_45 = arith.constant 0 : i32
        %dma_wait3A_46 = tpu.memref_slice %arg8[%while3A_28, %dma_wait3A_45] : memref<128x128xi32, #tpu.memory_space<vmem>> -> memref<1x128xi32, #tpu.memory_space<vmem>>
        %dma_wait3A_47 = tpu.memref_squeeze %dma_wait3A_46 : memref<1x128xi32, #tpu.memory_space<vmem>> -> memref<128xi32, #tpu.memory_space<vmem>>
        %dma_wait3A_48 = arith.constant 0 : i32
        %dma_wait3A_49 = arith.constant 0 : i32
        %dma_wait3A_50 = tpu.memref_slice %arg10[%dma_wait3A_48, %dma_wait3A_49] : memref<10240x128xf32, #tpu.memory_space<vmem_shared>> -> memref<10240x128xf32, #tpu.memory_space<vmem_shared>>
        tpu.wait_indirect_dma semaphore(%run_scoped3A : memref<!tpu.dma_semaphore, #tpu.memory_space<semaphore_mem>>) src(%arg9 : memref<128x128xf32, #tpu.memory_space<vmem>>) dst(%dma_wait3A_50 : memref<10240x128xf32, #tpu.memory_space<vmem_shared>>)
        tpu.yield
      }) : () -> ()
    }
    %barrier3A_24 = arith.constant 0 : index
    tpu.barrier barrier_id(%barrier3A_24)
    %mul3A = arith.constant 640 : i32
    %mul3A_25 = arith.muli %arg1, %mul3A : i32
    %mul3A_26 = arith.constant 640 : i32
    %mul3A_27 = arith.muli %arg1, %mul3A_26 : i32
    "tpu.region"() ({
      %run_scoped3A = tpu.sem_alloc : memref<!tpu.dma_semaphore, #tpu.memory_space<semaphore_mem>>
      %dma_start3A = arith.constant 0 : i32
      %dma_start3A_28 = tpu.memref_slice %arg6[%arg0, %mul3A_27, %dma_start3A] : memref<2x10240x128xf32, #tpu.memory_space<hbm>> -> memref<1x640x128xf32, #tpu.memory_space<hbm>>
      %dma_start3A_29 = tpu.memref_squeeze %dma_start3A_28 : memref<1x640x128xf32, #tpu.memory_space<hbm>> -> memref<640x128xf32, #tpu.memory_space<hbm>>
      %dma_start3A_30 = arith.constant 0 : i32
      %dma_start3A_31 = tpu.memref_slice %arg10[%mul3A_25, %dma_start3A_30] : memref<10240x128xf32, #tpu.memory_space<vmem_shared>> -> memref<640x128xf32, #tpu.memory_space<vmem_shared>>
      tpu.enqueue_dma source(%dma_start3A_31 : memref<640x128xf32, #tpu.memory_space<vmem_shared>>) target(%dma_start3A_29 : memref<640x128xf32, #tpu.memory_space<hbm>>) target_semaphore(%run_scoped3A : memref<!tpu.dma_semaphore, #tpu.memory_space<semaphore_mem>>)
      %dma_wait3A = arith.constant 0 : i32
      %dma_wait3A_32 = tpu.memref_slice %arg6[%arg0, %mul3A_27, %dma_wait3A] : memref<2x10240x128xf32, #tpu.memory_space<hbm>> -> memref<1x640x128xf32, #tpu.memory_space<hbm>>
      %dma_wait3A_33 = tpu.memref_squeeze %dma_wait3A_32 : memref<1x640x128xf32, #tpu.memory_space<hbm>> -> memref<640x128xf32, #tpu.memory_space<hbm>>
      %dma_wait3A_34 = arith.constant 0 : i32
      %dma_wait3A_35 = tpu.memref_slice %arg10[%mul3A_25, %dma_wait3A_34] : memref<10240x128xf32, #tpu.memory_space<vmem_shared>> -> memref<640x128xf32, #tpu.memory_space<vmem_shared>>
      tpu.wait_dma2 semaphore(%run_scoped3A : memref<!tpu.dma_semaphore, #tpu.memory_space<semaphore_mem>>) src(%dma_wait3A_35 : memref<640x128xf32, #tpu.memory_space<vmem_shared>>) dst(%dma_wait3A_33 : memref<640x128xf32, #tpu.memory_space<hbm>>)
      tpu.yield
    }) : () -> ()
    return
  }
}

module attributes {stable_mosaic.version = 14 : i64} {
  func.func @_tc1_body(%arg0: i32, %arg1: memref<1024x128xf32, #tpu.memory_space<vmem>>, %arg2: memref<128x128xf32, #tpu.memory_space<vmem>>, %arg3: memref<32x8x128xf32, #tpu.memory_space<vmem>>, %arg4: memref<1024x128xf32, #tpu.memory_space<vmem>>) attributes {dimension_semantics = [#tpu.dimension_semantics<arbitrary>], iteration_bounds = array<i64: 10>, scalar_prefetch = 0 : i64, scratch_operands = 0 : i64, tpu.core_type = #tpu.core_type<tc>, window_params = [{transform_indices = @transform_0, window_bounds = array<i64: 1024, 128>}, {pipeline_mode = #tpu.pipeline_mode<synchronous>, transform_indices = @transform_1, window_bounds = array<i64: 128, 128>}, {transform_indices = @transform_2, window_bounds = array<i64: 32, 8, 128>}, {transform_indices = @transform_3, window_bounds = array<i64: 1024, 128>}]} {
    %get3A = arith.constant 0 : index
    %get3A_0 = arith.constant 0 : index
    %get3A_1 = arith.constant 0 : index
    %get3A_2 = vector.load %arg3[%get3A, %get3A_0, %get3A_1] : memref<32x8x128xf32, #tpu.memory_space<vmem>>, vector<32x8x128xf32>
    %reduce_sum3A = arith.constant dense<0.000000e+00> : vector<8x128xf32>
    %reduce_sum3A_3 = vector.multi_reduction <add>, %get3A_2, %reduce_sum3A [0] : vector<32x8x128xf32> to vector<8x128xf32>
    %add3A = arith.constant 1.000000e+00 : f32
    %add3A_4 = vector.broadcast %add3A : f32 to vector<8x128xf32>
    %add3A_5 = arith.addf %reduce_sum3A_3, %add3A_4 : vector<8x128xf32>
    %rsqrt3A = math.rsqrt %add3A_5 : vector<8x128xf32>
    %get3A_6 = arith.constant 0 : index
    %get3A_7 = arith.constant 0 : index
    %get3A_8 = vector.load %arg1[%get3A_6, %get3A_7] : memref<1024x128xf32, #tpu.memory_space<vmem>>, vector<1024x128xf32>
    %get3A_9 = arith.constant 0 : index
    %get3A_10 = arith.constant 0 : index
    %get3A_11 = vector.load %arg2[%get3A_9, %get3A_10] : memref<128x128xf32, #tpu.memory_space<vmem>>, vector<128x128xf32>
    %dot_general3A = arith.constant dense<0.000000e+00> : vector<1024x128xf32>
    %dot_general3A_12 = tpu.matmul %get3A_8, %get3A_11, %dot_general3A {dimension_numbers = #tpu.dot_dimension_numbers<[1], [0], [0], [1], [0, 0, 1, 1], [], []>, transpose_lhs_hint = false} : vector<1024x128xf32>, vector<128x128xf32>, vector<1024x128xf32> -> vector<1024x128xf32>
    %reshape3A = vector.shape_cast %dot_general3A_12 : vector<1024x128xf32> to vector<8x128x128xf32>
    %broadcast_in_dim3A = vector.shape_cast %rsqrt3A : vector<8x128xf32> to vector<8x128x1xf32>
    %mul3A = vector.broadcast %broadcast_in_dim3A : vector<8x128x1xf32> to vector<8x128x128xf32>
    %mul3A_13 = arith.mulf %reshape3A, %mul3A : vector<8x128x128xf32>
    %reshape3A_14 = vector.shape_cast %mul3A_13 : vector<8x128x128xf32> to vector<1024x128xf32>
    %swap3A = arith.constant 0 : index
    %swap3A_15 = arith.constant 0 : index
    %swap3A_16 = vector.load %arg4[%swap3A, %swap3A_15] : memref<1024x128xf32, #tpu.memory_space<vmem>>, vector<1024x128xf32>
    tpu.vector_store %arg4[%swap3A, %swap3A_15], %reshape3A_14 {strides = array<i32>} : memref<1024x128xf32, #tpu.memory_space<vmem>>, vector<1024x128xf32>,
    return
  }
  func.func @transform_0(%arg0: i32) -> (i32, i32) {
    %c0_i32 = arith.constant 0 : i32
    %c0_i32_0 = arith.constant 0 : i32
    return %arg0, %c0_i32 : i32, i32
  }
  func.func @transform_1(%arg0: i32) -> (i32, i32) {
    %c0_i32 = arith.constant 0 : i32
    %c0_i32_0 = arith.constant 0 : i32
    %c0_i32_1 = arith.constant 0 : i32
    return %c0_i32, %c0_i32_0 : i32, i32
  }
  func.func @transform_2(%arg0: i32) -> (i32, i32, i32) {
    %c0_i32 = arith.constant 0 : i32
    %c0_i32_0 = arith.constant 0 : i32
    %c0_i32_1 = arith.constant 0 : i32
    return %c0_i32, %arg0, %c0_i32_0 : i32, i32, i32
  }
  func.func @transform_3(%arg0: i32) -> (i32, i32) {
    %c0_i32 = arith.constant 0 : i32
    %c0_i32_0 = arith.constant 0 : i32
    return %arg0, %c0_i32 : i32, i32
  }
}

module attributes {stable_mosaic.version = 14 : i64} {
  func.func @_tc2_body(%arg0: i32, %arg1: memref<2x1024x128xf32, #tpu.memory_space<vmem>>, %arg2: memref<1024x128xf32, #tpu.memory_space<vmem>>, %arg3: memref<32x8x128xf32, #tpu.memory_space<vmem>>, %arg4: memref<1x128xf32, #tpu.memory_space<vmem>>, %arg5: memref<1x128xf32, #tpu.memory_space<vmem>>, %arg6: memref<1x128xf32, #tpu.memory_space<vmem>>, %arg7: memref<1x128xf32, #tpu.memory_space<vmem>>, %arg8: memref<1x128xf32, #tpu.memory_space<vmem>>, %arg9: memref<128x128xf32, #tpu.memory_space<vmem>>, %arg10: memref<1024x128xf32, #tpu.memory_space<vmem>>) attributes {dimension_semantics = [#tpu.dimension_semantics<arbitrary>], iteration_bounds = array<i64: 10>, scalar_prefetch = 0 : i64, scratch_operands = 0 : i64, tpu.core_type = #tpu.core_type<tc>, window_params = [{transform_indices = @transform_0, window_bounds = array<i64: 2, 1024, 128>}, {transform_indices = @transform_1, window_bounds = array<i64: 1024, 128>}, {transform_indices = @transform_2, window_bounds = array<i64: 32, 8, 128>}, {pipeline_mode = #tpu.pipeline_mode<synchronous>, transform_indices = @transform_3, window_bounds = array<i64: 1, 128>}, {pipeline_mode = #tpu.pipeline_mode<synchronous>, transform_indices = @transform_4, window_bounds = array<i64: 1, 128>}, {pipeline_mode = #tpu.pipeline_mode<synchronous>, transform_indices = @transform_5, window_bounds = array<i64: 1, 128>}, {pipeline_mode = #tpu.pipeline_mode<synchronous>, transform_indices = @transform_6, window_bounds = array<i64: 1, 128>}, {pipeline_mode = #tpu.pipeline_mode<synchronous>, transform_indices = @transform_7, window_bounds = array<i64: 1, 128>}, {pipeline_mode = #tpu.pipeline_mode<synchronous>, transform_indices = @transform_8, window_bounds = array<i64: 128, 128>}, {transform_indices = @transform_9, window_bounds = array<i64: 1024, 128>}]} {
    %get3A = arith.constant 0 : index
    %get3A_0 = arith.constant 0 : index
    %get3A_1 = arith.constant 0 : index
    %get3A_2 = vector.load %arg3[%get3A, %get3A_0, %get3A_1] : memref<32x8x128xf32, #tpu.memory_space<vmem>>, vector<32x8x128xf32>
    %reduce_sum3A = arith.constant dense<0.000000e+00> : vector<8x128xf32>
    %reduce_sum3A_3 = vector.multi_reduction <add>, %get3A_2, %reduce_sum3A [0] : vector<32x8x128xf32> to vector<8x128xf32>
    %add3A = arith.constant 1.000000e+00 : f32
    %add3A_4 = vector.broadcast %add3A : f32 to vector<8x128xf32>
    %add3A_5 = arith.addf %reduce_sum3A_3, %add3A_4 : vector<8x128xf32>
    %rsqrt3A = math.rsqrt %add3A_5 : vector<8x128xf32>
    %get3A_6 = arith.constant 0 : index
    %get3A_7 = arith.constant 0 : index
    %get3A_8 = arith.constant 0 : index
    %get3A_9 = vector.load %arg1[%get3A_6, %get3A_7, %get3A_8] : memref<2x1024x128xf32, #tpu.memory_space<vmem>>, vector<2x1024x128xf32>
    %slice3A = vector.extract_strided_slice %get3A_9 {offsets = [0, 0, 0], sizes = [1, 1024, 128], strides = [1, 1, 1]} : vector<2x1024x128xf32> to vector<1x1024x128xf32>
    %squeeze3A = vector.shape_cast %slice3A : vector<1x1024x128xf32> to vector<1024x128xf32>
    %slice3A_10 = vector.extract_strided_slice %get3A_9 {offsets = [1, 0, 0], sizes = [1, 1024, 128], strides = [1, 1, 1]} : vector<2x1024x128xf32> to vector<1x1024x128xf32>
    %squeeze3A_11 = vector.shape_cast %slice3A_10 : vector<1x1024x128xf32> to vector<1024x128xf32>
    %add3A_12 = arith.addf %squeeze3A, %squeeze3A_11 : vector<1024x128xf32>
    %get3A_13 = arith.constant 0 : index
    %get3A_14 = arith.constant 0 : index
    %get3A_15 = vector.load %arg2[%get3A_13, %get3A_14] : memref<1024x128xf32, #tpu.memory_space<vmem>>, vector<1024x128xf32>
    %add3A_16 = arith.addf %add3A_12, %get3A_15 : vector<1024x128xf32>
    %reshape3A = vector.shape_cast %add3A_16 : vector<1024x128xf32> to vector<8x128x128xf32>
    %broadcast_in_dim3A = vector.shape_cast %rsqrt3A : vector<8x128xf32> to vector<8x128x1xf32>
    %mul3A = vector.broadcast %broadcast_in_dim3A : vector<8x128x1xf32> to vector<8x128x128xf32>
    %mul3A_17 = arith.mulf %reshape3A, %mul3A : vector<8x128x128xf32>
    %reshape3A_18 = vector.shape_cast %mul3A_17 : vector<8x128x128xf32> to vector<1024x128xf32>
    %get3A_19 = arith.constant 0 : index
    %get3A_20 = arith.constant 0 : index
    %get3A_21 = vector.load %arg4[%get3A_19, %get3A_20] : memref<1x128xf32, #tpu.memory_space<vmem>>, vector<1x128xf32>
    %add3A_22 = vector.broadcast %get3A_21 : vector<1x128xf32> to vector<1024x128xf32>
    %add3A_23 = arith.addf %reshape3A_18, %add3A_22 : vector<1024x128xf32>
    %get3A_24 = arith.constant 0 : index
    %get3A_25 = arith.constant 0 : index
    %get3A_26 = vector.load %arg5[%get3A_24, %get3A_25] : memref<1x128xf32, #tpu.memory_space<vmem>>, vector<1x128xf32>
    %get3A_27 = arith.constant 0 : index
    %get3A_28 = arith.constant 0 : index
    %get3A_29 = vector.load %arg8[%get3A_27, %get3A_28] : memref<1x128xf32, #tpu.memory_space<vmem>>, vector<1x128xf32>
    %add3A_30 = arith.constant 9.99999974E-6 : f32
    %add3A_31 = vector.broadcast %add3A_30 : f32 to vector<1x128xf32>
    %add3A_32 = arith.addf %get3A_29, %add3A_31 : vector<1x128xf32>
    %rsqrt3A_33 = math.rsqrt %add3A_32 : vector<1x128xf32>
    %mul3A_34 = arith.mulf %get3A_26, %rsqrt3A_33 : vector<1x128xf32>
    %get3A_35 = arith.constant 0 : index
    %get3A_36 = arith.constant 0 : index
    %get3A_37 = vector.load %arg7[%get3A_35, %get3A_36] : memref<1x128xf32, #tpu.memory_space<vmem>>, vector<1x128xf32>
    %sub3A = vector.broadcast %get3A_37 : vector<1x128xf32> to vector<1024x128xf32>
    %sub3A_38 = arith.subf %add3A_23, %sub3A : vector<1024x128xf32>
    %mul3A_39 = vector.broadcast %mul3A_34 : vector<1x128xf32> to vector<1024x128xf32>
    %mul3A_40 = arith.mulf %sub3A_38, %mul3A_39 : vector<1024x128xf32>
    %get3A_41 = arith.constant 0 : index
    %get3A_42 = arith.constant 0 : index
    %get3A_43 = vector.load %arg6[%get3A_41, %get3A_42] : memref<1x128xf32, #tpu.memory_space<vmem>>, vector<1x128xf32>
    %add3A_44 = vector.broadcast %get3A_43 : vector<1x128xf32> to vector<1024x128xf32>
    %add3A_45 = arith.addf %mul3A_40, %add3A_44 : vector<1024x128xf32>
    %max3A = arith.constant 0.000000e+00 : f32
    %max3A_46 = vector.broadcast %max3A : f32 to vector<1024x128xf32>
    %max3A_47 = arith.maximumf %add3A_45, %max3A_46 : vector<1024x128xf32>
    %get3A_48 = arith.constant 0 : index
    %get3A_49 = arith.constant 0 : index
    %get3A_50 = vector.load %arg9[%get3A_48, %get3A_49] : memref<128x128xf32, #tpu.memory_space<vmem>>, vector<128x128xf32>
    %dot_general3A = arith.constant dense<0.000000e+00> : vector<1024x128xf32>
    %dot_general3A_51 = tpu.matmul %max3A_47, %get3A_50, %dot_general3A {dimension_numbers = #tpu.dot_dimension_numbers<[1], [0], [0], [1], [0, 0, 1, 1], [], []>, transpose_lhs_hint = false} : vector<1024x128xf32>, vector<128x128xf32>, vector<1024x128xf32> -> vector<1024x128xf32>
    %reshape3A_52 = vector.shape_cast %dot_general3A_51 : vector<1024x128xf32> to vector<8x128x128xf32>
    %broadcast_in_dim3A_53 = vector.shape_cast %rsqrt3A : vector<8x128xf32> to vector<8x128x1xf32>
    %mul3A_54 = vector.broadcast %broadcast_in_dim3A_53 : vector<8x128x1xf32> to vector<8x128x128xf32>
    %mul3A_55 = arith.mulf %reshape3A_52, %mul3A_54 : vector<8x128x128xf32>
    %reshape3A_56 = vector.shape_cast %mul3A_55 : vector<8x128x128xf32> to vector<1024x128xf32>
    %swap3A = arith.constant 0 : index
    %swap3A_57 = arith.constant 0 : index
    %swap3A_58 = vector.load %arg10[%swap3A, %swap3A_57] : memref<1024x128xf32, #tpu.memory_space<vmem>>, vector<1024x128xf32>
    tpu.vector_store %arg10[%swap3A, %swap3A_57], %reshape3A_56 {strides = array<i32>} : memref<1024x128xf32, #tpu.memory_space<vmem>>, vector<1024x128xf32>,
    return
  }
  func.func @transform_0(%arg0: i32) -> (i32, i32, i32) {
    %c0_i32 = arith.constant 0 : i32
    %c0_i32_0 = arith.constant 0 : i32
    %c0_i32_1 = arith.constant 0 : i32
    return %c0_i32, %arg0, %c0_i32_0 : i32, i32, i32
  }
  func.func @transform_1(%arg0: i32) -> (i32, i32) {
    %c0_i32 = arith.constant 0 : i32
    %c0_i32_0 = arith.constant 0 : i32
    return %arg0, %c0_i32 : i32, i32
  }
  func.func @transform_2(%arg0: i32) -> (i32, i32, i32) {
    %c0_i32 = arith.constant 0 : i32
    %c0_i32_0 = arith.constant 0 : i32
    %c0_i32_1 = arith.constant 0 : i32
    return %c0_i32, %arg0, %c0_i32_0 : i32, i32, i32
  }
  func.func @transform_3(%arg0: i32) -> (i32, i32) {
    %c0_i32 = arith.constant 0 : i32
    %c0_i32_0 = arith.constant 0 : i32
    %c0_i32_1 = arith.constant 0 : i32
    return %c0_i32, %c0_i32_0 : i32, i32
  }
  func.func @transform_4(%arg0: i32) -> (i32, i32) {
    %c0_i32 = arith.constant 0 : i32
    %c0_i32_0 = arith.constant 0 : i32
    %c0_i32_1 = arith.constant 0 : i32
    return %c0_i32, %c0_i32_0 : i32, i32
  }
  func.func @transform_5(%arg0: i32) -> (i32, i32) {
    %c0_i32 = arith.constant 0 : i32
    %c0_i32_0 = arith.constant 0 : i32
    %c0_i32_1 = arith.constant 0 : i32
    return %c0_i32, %c0_i32_0 : i32, i32
  }
  func.func @transform_6(%arg0: i32) -> (i32, i32) {
    %c0_i32 = arith.constant 0 : i32
    %c0_i32_0 = arith.constant 0 : i32
    %c0_i32_1 = arith.constant 0 : i32
    return %c0_i32, %c0_i32_0 : i32, i32
  }
  func.func @transform_7(%arg0: i32) -> (i32, i32) {
    %c0_i32 = arith.constant 0 : i32
    %c0_i32_0 = arith.constant 0 : i32
    %c0_i32_1 = arith.constant 0 : i32
    return %c0_i32, %c0_i32_0 : i32, i32
  }
  func.func @transform_8(%arg0: i32) -> (i32, i32) {
    %c0_i32 = arith.constant 0 : i32
    %c0_i32_0 = arith.constant 0 : i32
    %c0_i32_1 = arith.constant 0 : i32
    return %c0_i32, %c0_i32_0 : i32, i32
  }
  func.func @transform_9(%arg0: i32) -> (i32, i32) {
    %c0_i32 = arith.constant 0 : i32
    %c0_i32_0 = arith.constant 0 : i32
    return %arg0, %c0_i32 : i32, i32
  }
}

module attributes {stable_mosaic.version = 14 : i64} {
  func.func @_tc3_body(%arg0: i32, %arg1: memref<2x1024x128xf32, #tpu.memory_space<vmem>>, %arg2: memref<1024x128xf32, #tpu.memory_space<vmem>>, %arg3: memref<32x8x128xf32, #tpu.memory_space<vmem>>, %arg4: memref<1x128xf32, #tpu.memory_space<vmem>>, %arg5: memref<1024x128xf32, #tpu.memory_space<vmem>>) attributes {dimension_semantics = [#tpu.dimension_semantics<arbitrary>], iteration_bounds = array<i64: 10>, scalar_prefetch = 0 : i64, scratch_operands = 0 : i64, tpu.core_type = #tpu.core_type<tc>, window_params = [{transform_indices = @transform_0, window_bounds = array<i64: 2, 1024, 128>}, {transform_indices = @transform_1, window_bounds = array<i64: 1024, 128>}, {transform_indices = @transform_2, window_bounds = array<i64: 32, 8, 128>}, {pipeline_mode = #tpu.pipeline_mode<synchronous>, transform_indices = @transform_3, window_bounds = array<i64: 1, 128>}, {transform_indices = @transform_4, window_bounds = array<i64: 1024, 128>}]} {
    %get3A = arith.constant 0 : index
    %get3A_0 = arith.constant 0 : index
    %get3A_1 = arith.constant 0 : index
    %get3A_2 = vector.load %arg3[%get3A, %get3A_0, %get3A_1] : memref<32x8x128xf32, #tpu.memory_space<vmem>>, vector<32x8x128xf32>
    %reduce_sum3A = arith.constant dense<0.000000e+00> : vector<8x128xf32>
    %reduce_sum3A_3 = vector.multi_reduction <add>, %get3A_2, %reduce_sum3A [0] : vector<32x8x128xf32> to vector<8x128xf32>
    %add3A = arith.constant 1.000000e+00 : f32
    %add3A_4 = vector.broadcast %add3A : f32 to vector<8x128xf32>
    %add3A_5 = arith.addf %reduce_sum3A_3, %add3A_4 : vector<8x128xf32>
    %rsqrt3A = math.rsqrt %add3A_5 : vector<8x128xf32>
    %get3A_6 = arith.constant 0 : index
    %get3A_7 = arith.constant 0 : index
    %get3A_8 = arith.constant 0 : index
    %get3A_9 = vector.load %arg1[%get3A_6, %get3A_7, %get3A_8] : memref<2x1024x128xf32, #tpu.memory_space<vmem>>, vector<2x1024x128xf32>
    %slice3A = vector.extract_strided_slice %get3A_9 {offsets = [0, 0, 0], sizes = [1, 1024, 128], strides = [1, 1, 1]} : vector<2x1024x128xf32> to vector<1x1024x128xf32>
    %squeeze3A = vector.shape_cast %slice3A : vector<1x1024x128xf32> to vector<1024x128xf32>
    %slice3A_10 = vector.extract_strided_slice %get3A_9 {offsets = [1, 0, 0], sizes = [1, 1024, 128], strides = [1, 1, 1]} : vector<2x1024x128xf32> to vector<1x1024x128xf32>
    %squeeze3A_11 = vector.shape_cast %slice3A_10 : vector<1x1024x128xf32> to vector<1024x128xf32>
    %add3A_12 = arith.addf %squeeze3A, %squeeze3A_11 : vector<1024x128xf32>
    %get3A_13 = arith.constant 0 : index
    %get3A_14 = arith.constant 0 : index
    %get3A_15 = vector.load %arg2[%get3A_13, %get3A_14] : memref<1024x128xf32, #tpu.memory_space<vmem>>, vector<1024x128xf32>
    %add3A_16 = arith.addf %add3A_12, %get3A_15 : vector<1024x128xf32>
    %reshape3A = vector.shape_cast %add3A_16 : vector<1024x128xf32> to vector<8x128x128xf32>
    %broadcast_in_dim3A = vector.shape_cast %rsqrt3A : vector<8x128xf32> to vector<8x128x1xf32>
    %mul3A = vector.broadcast %broadcast_in_dim3A : vector<8x128x1xf32> to vector<8x128x128xf32>
    %mul3A_17 = arith.mulf %reshape3A, %mul3A : vector<8x128x128xf32>
    %reshape3A_18 = vector.shape_cast %mul3A_17 : vector<8x128x128xf32> to vector<1024x128xf32>
    %get3A_19 = arith.constant 0 : index
    %get3A_20 = arith.constant 0 : index
    %get3A_21 = vector.load %arg4[%get3A_19, %get3A_20] : memref<1x128xf32, #tpu.memory_space<vmem>>, vector<1x128xf32>
    %add3A_22 = vector.broadcast %get3A_21 : vector<1x128xf32> to vector<1024x128xf32>
    %add3A_23 = arith.addf %reshape3A_18, %add3A_22 : vector<1024x128xf32>
    %reduce_max3A = arith.constant dense<0xFF800000> : vector<1024xf32>
    %reduce_max3A_24 = vector.multi_reduction <maximumf>, %add3A_23, %reduce_max3A [1] : vector<1024x128xf32> to vector<1024xf32>
    %broadcast_in_dim3A_25 = vector.shape_cast %reduce_max3A_24 : vector<1024xf32> to vector<1024x1xf32>
    %sub3A = vector.broadcast %broadcast_in_dim3A_25 : vector<1024x1xf32> to vector<1024x128xf32>
    %sub3A_26 = arith.subf %add3A_23, %sub3A : vector<1024x128xf32>
    %exp3A = math.exp %sub3A_26 : vector<1024x128xf32>
    %reduce_sum3A_27 = arith.constant dense<0.000000e+00> : vector<1024xf32>
    %reduce_sum3A_28 = vector.multi_reduction <add>, %exp3A, %reduce_sum3A_27 [1] : vector<1024x128xf32> to vector<1024xf32>
    %broadcast_in_dim3A_29 = vector.shape_cast %reduce_sum3A_28 : vector<1024xf32> to vector<1024x1xf32>
    %log3A = math.log %broadcast_in_dim3A_29 : vector<1024x1xf32>
    %add3A_30 = arith.addf %log3A, %broadcast_in_dim3A_25 : vector<1024x1xf32>
    %sub3A_31 = vector.broadcast %add3A_30 : vector<1024x1xf32> to vector<1024x128xf32>
    %sub3A_32 = arith.subf %add3A_23, %sub3A_31 : vector<1024x128xf32>
    %swap3A = arith.constant 0 : index
    %swap3A_33 = arith.constant 0 : index
    %swap3A_34 = vector.load %arg5[%swap3A, %swap3A_33] : memref<1024x128xf32, #tpu.memory_space<vmem>>, vector<1024x128xf32>
    tpu.vector_store %arg5[%swap3A, %swap3A_33], %sub3A_32 {strides = array<i32>} : memref<1024x128xf32, #tpu.memory_space<vmem>>, vector<1024x128xf32>,
    return
  }
  func.func @transform_0(%arg0: i32) -> (i32, i32, i32) {
    %c0_i32 = arith.constant 0 : i32
    %c0_i32_0 = arith.constant 0 : i32
    %c0_i32_1 = arith.constant 0 : i32
    return %c0_i32, %arg0, %c0_i32_0 : i32, i32, i32
  }
  func.func @transform_1(%arg0: i32) -> (i32, i32) {
    %c0_i32 = arith.constant 0 : i32
    %c0_i32_0 = arith.constant 0 : i32
    return %arg0, %c0_i32 : i32, i32
  }
  func.func @transform_2(%arg0: i32) -> (i32, i32, i32) {
    %c0_i32 = arith.constant 0 : i32
    %c0_i32_0 = arith.constant 0 : i32
    %c0_i32_1 = arith.constant 0 : i32
    return %c0_i32, %arg0, %c0_i32_0 : i32, i32, i32
  }
  func.func @transform_3(%arg0: i32) -> (i32, i32) {
    %c0_i32 = arith.constant 0 : i32
    %c0_i32_0 = arith.constant 0 : i32
    %c0_i32_1 = arith.constant 0 : i32
    return %c0_i32, %c0_i32_0 : i32, i32
  }
  func.func @transform_4(%arg0: i32) -> (i32, i32) {
    %c0_i32 = arith.constant 0 : i32
    %c0_i32_0 = arith.constant 0 : i32
    return %arg0, %c0_i32 : i32, i32
  }
}

</mosaic_0001>

<sc_bundles>
// kernel: kernel.11.cloned.1.call-start
scs
__scs_entry_jumppad:
0x0: {  	(pc) =	sbr.rel $0x88, $3  }
0x1: {  	(tag) =	ssettag $0x0;
	lr =	simm.s32 $0x1  }
0x2: {  	[smem:$0x3F97] =	sst lr;
	_ =	strace $0xD0000000  }
0x3: {  	_ = 	snop  }
0x4: {  	_ = 	snop  }
0x5: {  	_ = 	snop  }
0x6: {  	_ = 	snop  }
0x7: {  	_ = 	snop  }
__scs_overlays_trampoline_lowered:
0x8: {  	[smem:$0x3FA6] =	sst s0  }
0x9: {  	[smem:$0x3FA7] =	sst s1  }
0xa: {  	[smem:$0x3FA8] =	sst s2  }
0xb: {  	[smem:$0x3FA9] =	sst s3  }
0xc: {  	[smem:$0x3FAA] =	sst s4  }
0xd: {  	[smem:$0x3FAB] =	sst s5  }
0xe: {  	[smem:$0x3FAC] =	sst s6  }
0xf: {  	[smem:$0x3FAD] =	sst s7  }
0x10: {  	[smem:$0x3FAE] =	sst s8  }
0x11: {  	[smem:$0x3FAF] =	sst s9;
	s0 =	simm.s32 @!p0 $0x0  }
0x12: {  	s1 =	sld [smem:$0x3F95];
	s0 =	simm.s32 @p0 $0x1  }
0x13: {  	[smem:$0x3FB0] =	sst s0;
	s0 =	simm.s32 @!p1 $0x0  }
0x14: {  	s2 =	sld [smem:$0x3F94];
	s0 =	simm.s32 @p1 $0x1  }
0x15: {  	[smem:$0x3FB1] =	sst s0;
	s0 =	simm.s32 @!p2 $0x0  }
0x16: {  	s3 =	sld [smem:$0x3FDB];
	s0 =	simm.s32 @p2 $0x1  }
0x17: {  	s4 =	simm.s32 $0x1BF5;
	[smem:$0x3FB3] =	sst s0  }
0x18: {  	s0 =	sld [smem:$0x3F96];
	_ =	swait.ge [sflag:s4], $0x0  }
0x19: {  	s7 =	sld [smem:$0x3F97]  }
0x1a: {  	s8 =	sadd.s32 $0xFFFFE003, lr  }
0x1b: {  	s9 =	sadd.s32 $0xFFFFFEF7, lr;
	s5 =	simm.s32 $0xFFFFFFFF;
	p2 =	slt.u32 s8, $0xFFFFF086  }
0x1c: {  	p1 =	slt.u32 s9, $0xF7A;
	s5 =	simm.s32 @!p2 $0x0  }
0x1d: {  	s5 =	simm.s32 @p1 $0x1;
	p0 =	seq.s32 s7, s2  }
0x1e: {  	s7 =	smul.u32 @!p0 $0xF7A, s2;
	p2 =	seq.s32 @!p0 s5, $0x0  }
0x1f: {  	s9 =	smul.u32 $0xF7A, s1;
	s8 =	simm.s32 @!p0 $0x1BF5;
	p2 =	por !p2, p0  }
0x20: {  	[sflag:s8] =	ssyncset.s32 @!p0 $0xFFFFF086;
	s6 =	sadd.s32 @!p0 s3, s7;
	s7 =	simm.s32 @!p0 $0x108  }
0x21: {  	s3 =	sadd.s32 s3, s9;
	s6 =	sadd.s32 @!p0 $0x88, s6;
	s7 =	simm.s32 @p2 $0x1082  }
0x22: {  	[simem:s7], [sflag:s8] =	dma.local @!p0 [hbm:s6], $0xF7A  }
0x23: {  	s9 =	sor.u32 $0xD0000000, s2;
	s6 =	simm.s32 $0x108;
	_ =	swait.ge @!p0 [sflag:s8], $0x0  }
0x24: {  	s3 =	sadd.s32 $0x88, s3;
	s6 =	simm.s32 @!p1 $0x1082;
	[sflag:s4] =	ssyncset.s32 $0xFFFFF086  }
0x25: {  	[simem:s6], [sflag:s4] =	dma.local [hbm:s3], $0xF7A  }
0x26: {  	[smem:$0x3F97] =	sst s1;
	(tag) =	ssettag s2;
	_ =	strace s9  }
0x27: {  	s1 =	sld [smem:$0x3FA7]  }
0x28: {  	s2 =	sld [smem:$0x3FA8]  }
0x29: {  	s4 =	sld [smem:$0x3FAA]  }
0x2a: {  	p0 =	seq.s32 s5, $0x0;
	s5 =	sld [smem:$0x3FAB]  }
0x2b: {  	s6 =	sld [smem:$0x3FAC]  }
0x2c: {  	s7 =	sld [smem:$0x3FAD]  }
0x2d: {  	s3 =	simm.s32 $0x108;
	s8 =	sld [smem:$0x3FAE]  }
0x2e: {  	s3 =	simm.s32 @!p0 $0x1082;
	s9 =	sld [smem:$0x3FAF]  }
0x2f: {  	lr =	sadd.s32 s0, s3;
	s0 =	sld [smem:$0x3FA6]  }
0x30: {  	s3 =	sld [smem:$0x3FA9]  }
0x31: {  	[smem:$0x3FB2] =	sst s10  }
0x32: {  	s10 =	sld [smem:$0x3FB0];
	_ =	sdelay $0x3  }
0x33: {  	p0 =	seq.s32 s10, $0x1;
	s10 =	sld [smem:$0x3FB2];
	_ =	sdelay $0x3  }
0x34: {  	[smem:$0x3FB2] =	sst s10  }
0x35: {  	s10 =	sld [smem:$0x3FB1];
	_ =	sdelay $0x3  }
0x36: {  	p1 =	seq.s32 s10, $0x1;
	s10 =	sld [smem:$0x3FB2];
	_ =	sdelay $0x3  }
0x37: {  	[smem:$0x3FB2] =	sst s10  }
0x38: {  	s10 =	sld [smem:$0x3FB3]  }
0x39: {  	_ = 	snop;
	(pc) =	sbr.ind lr, $3  }
0x3a: {  	_ = 	snop  }
0x3b: {  	_ = 	snop  }
0x3c: {  	p2 =	seq.s32 s10, $0x1;
	s10 =	sld [smem:$0x3FB2]  }
0x3d: {  	_ =	shalt  }
0x3e: {  	_ =	shalt  }
0x3f: {  	_ =	shalt  }
0x40: {  	_ =	shalt  }
0x41: {  	_ =	shalt  }
0x42: {  	_ =	shalt  }
0x43: {  	_ =	shalt  }
0x44: {  	_ =	shalt  }
0x45: {  	_ =	shalt  }
0x46: {  	_ =	shalt  }
0x47: {  	_ =	shalt  }
0x48: {  	_ =	shalt  }
0x49: {  	_ =	shalt  }
0x4a: {  	_ =	shalt  }
0x4b: {  	_ =	shalt  }
0x4c: {  	_ =	shalt  }
0x4d: {  	_ =	shalt  }
0x4e: {  	_ =	shalt  }
0x4f: {  	_ =	shalt  }
0x50: {  	_ =	shalt  }
0x51: {  	_ =	shalt  }
0x52: {  	_ =	shalt  }
0x53: {  	_ =	shalt  }
0x54: {  	_ =	shalt  }
0x55: {  	_ =	shalt  }
0x56: {  	_ =	shalt  }
0x57: {  	_ =	shalt  }
0x58: {  	_ =	shalt  }
0x59: {  	_ =	shalt  }
0x5a: {  	_ =	shalt  }
0x5b: {  	_ =	shalt  }
0x5c: {  	_ =	shalt  }
0x5d: {  	_ =	shalt  }
0x5e: {  	_ =	shalt  }
0x5f: {  	_ =	shalt  }
0x60: {  	_ =	shalt  }
0x61: {  	_ =	shalt  }
0x62: {  	_ =	shalt  }
0x63: {  	_ =	shalt  }
0x64: {  	_ =	shalt  }
0x65: {  	_ =	shalt  }
0x66: {  	_ =	shalt  }
0x67: {  	_ =	shalt  }
0x68: {  	_ =	shalt  }
0x69: {  	_ =	shalt  }
0x6a: {  	_ =	shalt  }
0x6b: {  	_ =	shalt  }
0x6c: {  	_ =	shalt  }
0x6d: {  	_ =	shalt  }
0x6e: {  	_ =	shalt  }
0x6f: {  	_ =	shalt  }
0x70: {  	_ =	shalt  }
0x71: {  	_ =	shalt  }
0x72: {  	_ =	shalt  }
0x73: {  	_ =	shalt  }
0x74: {  	_ =	shalt  }
0x75: {  	_ =	shalt  }
0x76: {  	_ =	shalt  }
0x77: {  	_ =	shalt  }
0x78: {  	_ =	shalt  }
0x79: {  	_ =	shalt  }
0x7a: {  	_ =	shalt  }
0x7b: {  	_ =	shalt  }
0x7c: {  	_ =	shalt  }
0x7d: {  	_ =	shalt  }
0x7e: {  	_ =	shalt  }
0x7f: {  	_ =	shalt  }
0x80: {  	_ =	shalt  }
0x81: {  	_ =	shalt  }
0x82: {  	_ =	shalt  }
0x83: {  	_ =	shalt  }
0x84: {  	_ =	shalt  }
0x85: {  	_ =	shalt  }
0x86: {  	_ =	shalt  }
0x87: {  	_ =	shalt  }
.Lfunc_end0:
.L_simem_size_0:
called_computation.1_lowered:
.L_overlay_start_0:
0x88: {  	s2 =	sld [smem:$0x3FD9]  }
0x89: {  	s3 =	sld [smem:$0x3FFE];
	_ =	sdelay $0x1  }
0x8a: {  	s1 =	srdreg.scid  }
0x8b: {  	s0 =	sand.u32 $0x1, s1  }
0x8c: {  	s17 =	sshll.u32 s0, $0xA;
	s2 =	sadd.s32 s3, s2  }
0x8d: {  	s2 =	sadd.s32 s2, s17  }
0x8e: {  	[smem:$0x3FBE] =	sst s2  }
0x8f: {  	_ = 	snop  }
0x90: {  	s2 =	sld [smem:$0x3FD0];
	(tm) =	ssettm $0x1  }
0x91: {  	s18 =	sld [smem:$0x3FFB];
	_ =	sdelay $0x3  }
0x92: {  	_ =	strace s18  }
0x93: {  	s3 =	sld [smem:$0x3FFC];
	_ =	sdelay $0x3  }
0x94: {  	_ =	strace s3  }
0x95: {  	s3 =	sld [smem:$0x3FFD];
	_ =	sdelay $0x3  }
0x96: {  	_ =	strace s3  }
0x97: {  	_ =	strace $0x8FFFFFFF  }
0x98: {  	s19 =	sld [smem:$0x3FDB];
	_ =	sdelay $0x1  }
0x99: {  	s4 =	simm.s32 $_scs_section_size  }
0x9a: {  	s5 =	simm.s32 $_size__tile_overlayer_lowered;
	s6 =	simm.s32 $_tile_overlayer_lowered  }
0x9b: {  	s22 =	simm.s32 $0x1BFF;
	s21 =	sshll.u32 s6, $0x1;
	s3 =	sadd.s32 s4, s19  }
0x9c: {  	s7 =	simm.s32 $0x0;
	s20 =	sshll.u32 s5, $0x1;
	s5 =	sadd.s32 s21, s3  }
0x9d: {  	[timem:s7], [sflag:s22] =	dma.local [hbm:s5], s20  }
0x9e: {  	_ =	swait.ge [sflag:s22], s20  }
0x9f: {  	s4 =	ssub.s32 $0x0, s20;
	[sflag:s22] =	ssyncset.done $0x0  }
0xa0: {  	[sflag:s22] =	ssyncadd.s32 s4;
	_ =	sdelay $0x1  }
0xa1: {  	s23 =	simm.s32 $0x1B8B  }
0xa2: {  	_ =	swait.ge [sflag:s23], $0x1  }
0xa3: {  	[sflag:s23] =	ssyncset.done $0x0  }
0xa4: {  	s25 =	simm.s32 $0x1B8E;
	s24 =	sld [smem:$0x3FFE];
	[sflag:s23] =	ssyncadd.s32 $0xFFFFFFFF  }
0xa5: {  	s26 =	simm.s32 $execute0_lowered;
	[smem:$0x3FD2] =	sst s25  }
0xa6: {  	s5 =	sshll.u32 s26, $0x1;
	_ =	strace $0x80000049;
	[dreg:$0x1] =	wrdreg $0xFFFFFFFF  }
0xa7: {  	s28 =	simm.s32 $_size_execute0_lowered;
	s3 =	sadd.s32 s3, s5;
	[dreg:$0x0] =	wrdreg $0x0  }
0xa8: {  	s5 =	sshll.u32 s28, $0x1;
	[dreg:$0x2] =	wrdreg s3  }
0xa9: {  	[dreg:$0x3] =	wrdreg s5  }
0xaa: {  	[dreg:$0x4] =	wrdreg $0xC0  }
0xab: {  	_ =	task [dreg:s7], $0x5FFFF  }
0xac: {  	[dreg:$0x1] =	wrdreg $0xFFFFFFFF  }
0xad: {  	[dreg:$0x0] =	wrdreg $0x60  }
0xae: {  	[dreg:$0x2] =	wrdreg s24  }
0xaf: {  	[dreg:$0x3] =	wrdreg s2  }
0xb0: {  	[dreg:$0x4] =	wrdreg $0xC0000  }
0xb1: {  	[dreg:$0x5] =	wrdreg $0x9  }
0xb2: {  	_ =	task.clear_ibuf [dreg:s7], $0x6FFFF;
	_ =	strace $0x90000049  }
0xb3: {  	s29 =	simm.s32 $0x9;
	_ =	strace $0x8000004B  }
0xb4: {  	_ =	swait.ge [sflag:s29], $0x1  }
0xb5: {  	[sflag:s29] =	ssyncadd.s32 $0xFFFFFFFF  }
0xb6: {  	_ =	strace $0x9000004B  }
0xb7: {  	_ =	sfence  }
0xb8: {  	s30 =	sld [smem:$0x0];
	_ =	sdelay $0x2  }
0xb9: {  	s31 =	sshll.u32 s1, $0xD;
	s1 =	sshrl.u32 s1, $0x2  }
0xba: {  	s3 =	sand.u32 $0x4000, s31;
	s1 =	sadd.s32 s1, s30  }
0xbb: {  	s0 =	sor.u32 s3, s0;
	s1 =	sshll.u32 s1, $0x11  }
0xbc: {  	s0 =	sor.u32 s1, s0  }
0xbd: {  	s0 =	sadd.s32 $0x8F2B, s0  }
0xbe: {  	[sflag:s0] =	ssyncadd.remote.s32 $0x1  }
0xbf: {  	_ =	sfence.sel $0xFFFF  }
0xc0: {  	[dreg:$0x0] =	wrdreg $0xFFFFFFFF;
	(pc) =	sbr.abs _section_cstart, $3  }
0xc1: {  	[dreg:$0x1] =	wrdreg $0xFFFFFFFF  }
0xc2: {  	_ =	task.clear_ibuf [dreg:s7], $0x2FFFF;
	_ =	strace $0x9FFFFFFF  }
0xc3: {  	(tm) =	ssettm $0x7FFFFFFF  }
tec
execute0_lowered:
.L_overlay_start_1:
0x0: {  	(tag) =	ssettag $0x1  }
0x1: {  	s7 =	rddreg [dreg:$0x0]  }
0x2: {  	s14 =	rddreg [dreg:$0x1]  }
0x3: {  	s1 =	rddreg [dreg:$0x2];
	s2 =	srdreg.scid  }
0x4: {  	s0 =	rddreg [dreg:$0x3];
	s3 =	simm.s32 $0x0;
	s19 =	simm.s32 $0x2  }
0x5: {  	s22 =	simm.s32 $0x4000;
	s23 =	simm.s32 $0x80;
	s24 =	simm.s32 $0x8000  }
0x6: {  	s25 =	simm.s32 $0x1;
	s17 =	sand.u32 $0x1, s2;
	s2 =	stileid.u32  }
0x7: {  	s26 =	simm.s32 $0x0;
	[smem:$0x7FF] =	sst s3;
	s6 =	smul.u32 $0x140000, s17  }
0x8: {  	s4 =	sadd.s32 $0xD200, s7;
	s13 =	sadd.s32 $0x3200, s7;
	s8 =	smul.u32 $0x14000, s2  }
0x9: {  	s5 =	sadd.s32 $0x35200, s7;
	_ =	strace $0x8000004A;
	s9 =	smul.u32 $0x50000, s2  }
0xa: {  	s29 =	ssub.s32 $0x2, s17;
	s30 =	sshll.u32 s2, $0x9;
	s18 =	sshll.u32 s2, $0xB  }
0xb: {  	s31 =	sshll.u32 s2, $0x6;
	p0 =	sne.s32 s17, $0x0;
	s11 =	sshrl.u32 s29, $0x1  }
0xc: {  	s12 =	sor.u32 $0x8000, s30;
	s17 =	sor.u32 $0x1C02, s31;
	s6 =	sadd.s32 s8, s6  }
0xd: {  	s9 =	sshrl.u32 s9, $0x2;
	s16 =	ssub.s32 s29, s11;
	s11 =	sadd.s32 s13, s12  }
0xe: {  	s12 =	sadd.s32 s14, s12;
	s13 =	sadd.s32 s13, s18;
	s14 =	sadd.s32 s14, s18  }
0xf: {  	s10 =	sshrl.u32 s6, $0x3;
	s6 =	sadd.s32 s9, s1;
	s16 =	smax.u32 s16, $0x1  }
0x10: {  	s15 =	sadd.s32 s10, s7;
	s7 =	sadd.s32 $0x4000, s6;
	s8 =	sadd.s32 $0x8000, s6  }
0x11: {  	s9 =	sadd.s32 $0xC000, s6;
	s10 =	sadd.s32 $0x10000, s6;
	s18 =	sshrl.u32 s6, $0x3  }
0x12: {  	v0 =	vimm.f32 $0.0e+00;
	s15 =	sadd.s32 $0x35A00, s15;
	s20 =	sshrl.u32 s7, $0x3;
	s21 =	sshrl.u32 s8, $0x3  }
.LBB2_1:
.Ltmp0:
0x13: {  	(pc) =	sbr.rel @p0 .LBB2_3-.Ltmp0, $1  }
0x14: {  	_ =	sdelay $0x3  }
0x15: {  	[spmem:s18], [sflag:s17] =	dma.local [hbm:s5], $0x800  }
0x16: {  	_ =	swait.ge [sflag:s19], $0x800  }
0x17: {  	[sflag:s19] =	ssyncset.done $0x0  }
0x18: {  	[sflag:s19] =	ssyncadd.s32 $0xFFFFF800  }
0x19: {  	[spmem:s20], [sflag:s17] =	dma.local [hbm:s5], $0x800  }
0x1a: {  	_ =	swait.ge [sflag:s19], $0x800  }
0x1b: {  	[sflag:s19] =	ssyncset.done $0x0  }
0x1c: {  	[sflag:s19] =	ssyncadd.s32 $0xFFFFF800  }
0x1d: {  	[spmem:s21], [sflag:s17] =	dma.local [hbm:s5], $0x800  }
0x1e: {  	_ =	swait.ge [sflag:s19], $0x800  }
0x1f: {  	[sflag:s19] =	ssyncset.done $0x0  }
0x20: {  	s28 =	sshrl.u32 s9, $0x3;
	[sflag:s19] =	ssyncadd.s32 $0xFFFFF800  }
0x21: {  	[spmem:s28], [sflag:s17] =	dma.local [hbm:s5], $0x800  }
0x22: {  	_ =	swait.ge [sflag:s19], $0x800  }
0x23: {  	[sflag:s19] =	ssyncset.done $0x0  }
0x24: {  	s31 =	sshrl.u32 s10, $0x3;
	[sflag:s19] =	ssyncadd.s32 $0xFFFFF800  }
0x25: {  	[spmem:s31], [sflag:s17] =	dma.local [hbm:s5], $0x800  }
0x26: {  	_ =	swait.ge [sflag:s19], $0x800  }
0x27: {  	[sflag:s19] =	ssyncset.done $0x0  }
0x28: {  	[sflag:s19] =	ssyncadd.s32 $0xFFFFF800  }
0x29: {  	[tilespmem:s3], [sflag:$0x2] =	stream.linear.gather [hbm4b:s13+s3], $0x4000, $0x38;
	v63 =	vld [tilespmem:$0x0]  }
0x2a: {  	_ =	swait.ge [sflag:s19], $0x4000  }
0x2b: {  	[sflag:s19] =	ssyncset.done $0x0  }
.Ltmp1:
0x2c: {  	[sflag:s19] =	ssyncadd.s32 $0xFFFFC000;
	(pc) =	sbr.rel .LBB2_6-.Ltmp1, $4  }
0x2d: {  	[tilespmem:s22], [sflag:$0x2] =	stream.linear.gather [hbm4b:s14+s3], $0x4000, $0x38;
	v63 =	vld [tilespmem:$0x0]  }
0x2e: {  	_ =	swait.ge [sflag:s19], $0x4000  }
0x2f: {  	[sflag:s19] =	ssyncset.done $0x0  }
0x30: {  	s30 =	simm.s32 $0x80;
	[sflag:s19] =	ssyncadd.s32 $0xFFFFC000  }
.LBB2_3:
0x31: {  	s28 =	sand.u32 $0xFE00, s3  }
0x32: {  	s29 =	sand.u32 $0x70, s3;
	s30 =	sshrl.u32 s28, $0x2  }
0x33: {  	s28 =	simm.s32 $0x40;
	s30 =	sor.u32 s29, s30;
	s29 =	simm.s32 $0x0  }
.LBB2_4:
0x34: {  	p1 =	sne.s32 s28, $0xFFC0  }
0x35: {  	[tilespmem:s30+$0x8000] =	vst v0;
	s29 =	sadd.s32 $0x10, s29;
	s30 =	smov.u32 s28;
	s28 =	sadd.s32 $0x40, s28  }
.Ltmp2:
0x36: {  	(pc) =	sbr.rel @p1 .LBB2_4-.Ltmp2, $4  }
0x37: {  	_ = 	snop  }
0x38: {  	s30 =	sand.u32 $0xFE00, s30  }
0x39: {  	s31 =	sand.u32 $0x70, s29;
	s30 =	sshrl.u32 s30, $0x2  }
0x3a: {  	s30 =	sor.u32 s31, s30  }
0x3b: {  	[tilespmem:s30+$0x8000] =	vst v0  }
0x3c: {  	[spmem:s6] =	stream.linear.scatter [tilespmem:s24], [sflag:$0x2], $0x4000, $0x38;
	v63 =	vld [tilespmem:$0x0]  }
0x3d: {  	_ =	swait.ge [sflag:s19], $0x4000  }
0x3e: {  	[sflag:s19] =	ssyncset.done $0x0  }
0x3f: {  	[sflag:s19] =	ssyncadd.s32 $0xFFFFC000  }
0x40: {  	[spmem:s7] =	stream.linear.scatter [tilespmem:s24], [sflag:$0x2], $0x4000, $0x38;
	v63 =	vld [tilespmem:$0x0]  }
0x41: {  	_ =	swait.ge [sflag:s19], $0x4000  }
0x42: {  	[sflag:s19] =	ssyncset.done $0x0  }
0x43: {  	[sflag:s19] =	ssyncadd.s32 $0xFFFFC000  }
0x44: {  	[spmem:s8] =	stream.linear.scatter [tilespmem:s24], [sflag:$0x2], $0x4000, $0x38;
	v63 =	vld [tilespmem:$0x0]  }
0x45: {  	_ =	swait.ge [sflag:s19], $0x4000  }
0x46: {  	[sflag:s19] =	ssyncset.done $0x0  }
0x47: {  	[sflag:s19] =	ssyncadd.s32 $0xFFFFC000  }
0x48: {  	[spmem:s9] =	stream.linear.scatter [tilespmem:s24], [sflag:$0x2], $0x4000, $0x38;
	v63 =	vld [tilespmem:$0x0]  }
0x49: {  	_ =	swait.ge [sflag:s19], $0x4000  }
0x4a: {  	[sflag:s19] =	ssyncset.done $0x0  }
0x4b: {  	[sflag:s19] =	ssyncadd.s32 $0xFFFFC000  }
0x4c: {  	[spmem:s10] =	stream.linear.scatter [tilespmem:s24], [sflag:$0x2], $0x4000, $0x38;
	v63 =	vld [tilespmem:$0x0]  }
0x4d: {  	_ =	swait.ge [sflag:s19], $0x4000  }
0x4e: {  	[sflag:s19] =	ssyncset.done $0x0  }
0x4f: {  	[sflag:s19] =	ssyncadd.s32 $0xFFFFC000  }
0x50: {  	[tilespmem:s3], [sflag:$0x2] =	stream.linear.gather [hbm4b:s11+s3], $0x1000, $0x38;
	v63 =	vld [tilespmem:$0x0]  }
0x51: {  	_ =	swait.ge [sflag:s19], $0x1000  }
0x52: {  	[sflag:s19] =	ssyncset.done $0x0  }
0x53: {  	[sflag:s19] =	ssyncadd.s32 $0xFFFFF000  }
0x54: {  	[tilespmem:s22], [sflag:$0x2] =	stream.linear.gather [hbm4b:s12+s3], $0x1000, $0x38;
	v63 =	vld [tilespmem:$0x0]  }
0x55: {  	_ =	swait.ge [sflag:s19], $0x1000  }
0x56: {  	[sflag:s19] =	ssyncset.done $0x0  }
0x57: {  	s30 =	simm.s32 $0x20;
	[sflag:s19] =	ssyncadd.s32 $0xFFFFF000  }
.LBB2_6:
0x58: {  	[bflag:$0x0] =	sbarrier.arrive $0xFFFF;
	s28 =	simm.s32 $0x0  }
0x59: {  	[tilespmem:s24], [sflag:$0x1] =	stream.indirect.gather [hbm4b:s4+s23], $0x80, s28, s23, $0xb8;
	v63 =	vld [tilespmem:$0x0]  }
0x5a: {  	p1 =	sne.s32 s30, $0x1;
	_ =	swait.ge [sflag:s25], $0x4000  }
.Ltmp3:
0x5b: {  	[sflag:s25] =	ssyncset.done $0x0;
	(pc) =	sbr.rel @!p1 .LBB2_8-.Ltmp3, $4  }
0x5c: {  	s29 =	simm.s32 $0x4000;
	[sflag:s25] =	ssyncadd.s32 $0xFFFFC000  }
0x5d: {  	[spmem:s1] =	stream.indirect.scatter.add.f32 [tilespmem:s24], [sflag:$0x2], $0x80, s29, s23, $0xb8;
	v63 =	vld [tilespmem:$0x0]  }
0x5e: {  	_ =	swait.ge [sflag:s19], $0x4000  }
0x5f: {  	s30 =	sadd.s32 $0xFFFFFFFF, s30;
	[sflag:s19] =	ssyncset.done $0x0  }
.LBB2_7:
0x60: {  	[sflag:s19] =	ssyncadd.s32 $0xFFFFC000;
	s28 =	sadd.s32 $0x80, s28;
	s29 =	sadd.s32 $0x80, s29  }
0x61: {  	[tilespmem:s24], [sflag:$0x1] =	stream.indirect.gather [hbm4b:s4+s23], $0x80, s28, s23, $0xb8;
	v63 =	vld [tilespmem:$0x0]  }
0x62: {  	p1 =	sne.s32 s30, $0x1;
	s30 =	sadd.s32 $0xFFFFFFFF, s30;
	_ =	swait.ge [sflag:s25], $0x4000  }
.Ltmp4:
0x63: {  	[sflag:s25] =	ssyncset.done $0x0;
	(pc) =	sbr.rel @p1 .LBB2_7-.Ltmp4, $4  }
0x64: {  	[sflag:s25] =	ssyncadd.s32 $0xFFFFC000  }
0x65: {  	[spmem:s1] =	stream.indirect.scatter.add.f32 [tilespmem:s24], [sflag:$0x2], $0x80, s29, s23, $0xb8;
	v63 =	vld [tilespmem:$0x0]  }
0x66: {  	_ =	swait.ge [sflag:s19], $0x4000  }
0x67: {  	[sflag:s19] =	ssyncset.done $0x0  }
.LBB2_8:
0x68: {  	s26 =	sadd.s32 $0x1, s26  }
0x69: {  	[sflag:s19] =	ssyncadd.s32 $0xFFFFC000;
	p1 =	sne.s32 s26, s16  }
.Ltmp5:
0x6a: {  	[bflag:$0x0] =	sbarrier.arrive $0xFFFF;
	(pc) =	sbr.rel @p1 .LBB2_1-.Ltmp5, $4  }
0x6b: {  	[hbm:s15], [sflag:s17] =	dma.local [spmem:s18], $0x2800  }
0x6c: {  	_ =	swait.ge [sflag:s19], $0x2800  }
0x6d: {  	[sflag:s19] =	ssyncset.done $0x0  }
0x6e: {  	[sflag:s19] =	ssyncadd.s32 $0xFFFFD800  }
0x6f: {  	_ =	sfence.sel $0x180000  }
0x70: {  	[bflag:$0x0] =	sbarrier.arrive $0xFFFF  }
0x71: {  	p0 =	sne.s32 s2, $0x0;
	_ =	strace $0x9000004A  }
0x72: {  	s0 =	sadd.s32 @!p0 $0x100000, s0;
	[bflag:$0x2] =	sbarrier.arrive $0xFFFF  }
0x73: {  	[sflag:s0] =	ssyncadd.tile.s32 @!p0 $0x1;
	_ =	shalt  }
.Lfunc_end2:
_tile_overlayer_lowered:
.L_overlay_start_2:
0x74: {  	(tag) =	ssettag $0x2  }
0x75: {  	s0 =	rddreg [dreg:$0x0];
	s2 =	stileid.u32  }
0x76: {  	s1 =	rddreg [dreg:$0x1];
	p0 =	sne.s32 s2, $0x0  }
0x77: {  	s3 =	rddreg [dreg:$0x2];
	[bflag:$0x3] =	sbarrier.arrive $0xFFFF;
	s2 =	simm.s32 @!p0 $0x1C02  }
0x78: {  	[timem:s3], [sflag:s2] =	dma.local @!p0 [hbm:s0], s1  }
0x79: {  	s0 =	simm.s32 @!p0 $0x2  }
0x7a: {  	_ =	swait.ge @!p0 [sflag:s0], s1  }
0x7b: {  	s1 =	ssub.s32 @!p0 $0x0, s1;
	[sflag:s0] =	ssyncset.done @!p0 $0x0  }
0x7c: {  	[sflag:s0] =	ssyncadd.s32 @!p0 s1  }
0x7d: {  	[bflag:$0x3] =	sbarrier.arrive $0xFFFF  }
0x7e: {  	_ =	shalt  }

// kernel: kernel.14.cloned.1.call-start
scs
__scs_entry_jumppad:
0x0: {  	(pc) =	sbr.rel $0x88, $3  }
0x1: {  	(tag) =	ssettag $0x0;
	lr =	simm.s32 $0x1  }
0x2: {  	[smem:$0x3F97] =	sst lr;
	_ =	strace $0xD0000000  }
0x3: {  	_ = 	snop  }
0x4: {  	_ = 	snop  }
0x5: {  	_ = 	snop  }
0x6: {  	_ = 	snop  }
0x7: {  	_ = 	snop  }
__scs_overlays_trampoline_lowered:
0x8: {  	[smem:$0x3FA6] =	sst s0  }
0x9: {  	[smem:$0x3FA7] =	sst s1  }
0xa: {  	[smem:$0x3FA8] =	sst s2  }
0xb: {  	[smem:$0x3FA9] =	sst s3  }
0xc: {  	[smem:$0x3FAA] =	sst s4  }
0xd: {  	[smem:$0x3FAB] =	sst s5  }
0xe: {  	[smem:$0x3FAC] =	sst s6  }
0xf: {  	[smem:$0x3FAD] =	sst s7  }
0x10: {  	[smem:$0x3FAE] =	sst s8  }
0x11: {  	[smem:$0x3FAF] =	sst s9;
	s0 =	simm.s32 @!p0 $0x0  }
0x12: {  	s1 =	sld [smem:$0x3F95];
	s0 =	simm.s32 @p0 $0x1  }
0x13: {  	[smem:$0x3FB0] =	sst s0;
	s0 =	simm.s32 @!p1 $0x0  }
0x14: {  	s2 =	sld [smem:$0x3F94];
	s0 =	simm.s32 @p1 $0x1  }
0x15: {  	[smem:$0x3FB1] =	sst s0;
	s0 =	simm.s32 @!p2 $0x0  }
0x16: {  	s3 =	sld [smem:$0x3FDB];
	s0 =	simm.s32 @p2 $0x1  }
0x17: {  	s4 =	simm.s32 $0x1BF5;
	[smem:$0x3FB3] =	sst s0  }
0x18: {  	s0 =	sld [smem:$0x3F96];
	_ =	swait.ge [sflag:s4], $0x0  }
0x19: {  	s7 =	sld [smem:$0x3F97]  }
0x1a: {  	s8 =	sadd.s32 $0xFFFFE003, lr  }
0x1b: {  	s9 =	sadd.s32 $0xFFFFFEF7, lr;
	s5 =	simm.s32 $0xFFFFFFFF;
	p2 =	slt.u32 s8, $0xFFFFF086  }
0x1c: {  	p1 =	slt.u32 s9, $0xF7A;
	s5 =	simm.s32 @!p2 $0x0  }
0x1d: {  	s5 =	simm.s32 @p1 $0x1;
	p0 =	seq.s32 s7, s2  }
0x1e: {  	s7 =	smul.u32 @!p0 $0xF7A, s2;
	p2 =	seq.s32 @!p0 s5, $0x0  }
0x1f: {  	s9 =	smul.u32 $0xF7A, s1;
	s8 =	simm.s32 @!p0 $0x1BF5;
	p2 =	por !p2, p0  }
0x20: {  	[sflag:s8] =	ssyncset.s32 @!p0 $0xFFFFF086;
	s6 =	sadd.s32 @!p0 s3, s7;
	s7 =	simm.s32 @!p0 $0x108  }
0x21: {  	s3 =	sadd.s32 s3, s9;
	s6 =	sadd.s32 @!p0 $0x88, s6;
	s7 =	simm.s32 @p2 $0x1082  }
0x22: {  	[simem:s7], [sflag:s8] =	dma.local @!p0 [hbm:s6], $0xF7A  }
0x23: {  	s9 =	sor.u32 $0xD0000000, s2;
	s6 =	simm.s32 $0x108;
	_ =	swait.ge @!p0 [sflag:s8], $0x0  }
0x24: {  	s3 =	sadd.s32 $0x88, s3;
	s6 =	simm.s32 @!p1 $0x1082;
	[sflag:s4] =	ssyncset.s32 $0xFFFFF086  }
0x25: {  	[simem:s6], [sflag:s4] =	dma.local [hbm:s3], $0xF7A  }
0x26: {  	[smem:$0x3F97] =	sst s1;
	(tag) =	ssettag s2;
	_ =	strace s9  }
0x27: {  	s1 =	sld [smem:$0x3FA7]  }
0x28: {  	s2 =	sld [smem:$0x3FA8]  }
0x29: {  	s4 =	sld [smem:$0x3FAA]  }
0x2a: {  	p0 =	seq.s32 s5, $0x0;
	s5 =	sld [smem:$0x3FAB]  }
0x2b: {  	s6 =	sld [smem:$0x3FAC]  }
0x2c: {  	s7 =	sld [smem:$0x3FAD]  }
0x2d: {  	s3 =	simm.s32 $0x108;
	s8 =	sld [smem:$0x3FAE]  }
0x2e: {  	s3 =	simm.s32 @!p0 $0x1082;
	s9 =	sld [smem:$0x3FAF]  }
0x2f: {  	lr =	sadd.s32 s0, s3;
	s0 =	sld [smem:$0x3FA6]  }
0x30: {  	s3 =	sld [smem:$0x3FA9]  }
0x31: {  	[smem:$0x3FB2] =	sst s10  }
0x32: {  	s10 =	sld [smem:$0x3FB0];
	_ =	sdelay $0x3  }
0x33: {  	p0 =	seq.s32 s10, $0x1;
	s10 =	sld [smem:$0x3FB2];
	_ =	sdelay $0x3  }
0x34: {  	[smem:$0x3FB2] =	sst s10  }
0x35: {  	s10 =	sld [smem:$0x3FB1];
	_ =	sdelay $0x3  }
0x36: {  	p1 =	seq.s32 s10, $0x1;
	s10 =	sld [smem:$0x3FB2];
	_ =	sdelay $0x3  }
0x37: {  	[smem:$0x3FB2] =	sst s10  }
0x38: {  	s10 =	sld [smem:$0x3FB3]  }
0x39: {  	_ = 	snop;
	(pc) =	sbr.ind lr, $3  }
0x3a: {  	_ = 	snop  }
0x3b: {  	_ = 	snop  }
0x3c: {  	p2 =	seq.s32 s10, $0x1;
	s10 =	sld [smem:$0x3FB2]  }
0x3d: {  	_ =	shalt  }
0x3e: {  	_ =	shalt  }
0x3f: {  	_ =	shalt  }
0x40: {  	_ =	shalt  }
0x41: {  	_ =	shalt  }
0x42: {  	_ =	shalt  }
0x43: {  	_ =	shalt  }
0x44: {  	_ =	shalt  }
0x45: {  	_ =	shalt  }
0x46: {  	_ =	shalt  }
0x47: {  	_ =	shalt  }
0x48: {  	_ =	shalt  }
0x49: {  	_ =	shalt  }
0x4a: {  	_ =	shalt  }
0x4b: {  	_ =	shalt  }
0x4c: {  	_ =	shalt  }
0x4d: {  	_ =	shalt  }
0x4e: {  	_ =	shalt  }
0x4f: {  	_ =	shalt  }
0x50: {  	_ =	shalt  }
0x51: {  	_ =	shalt  }
0x52: {  	_ =	shalt  }
0x53: {  	_ =	shalt  }
0x54: {  	_ =	shalt  }
0x55: {  	_ =	shalt  }
0x56: {  	_ =	shalt  }
0x57: {  	_ =	shalt  }
0x58: {  	_ =	shalt  }
0x59: {  	_ =	shalt  }
0x5a: {  	_ =	shalt  }
0x5b: {  	_ =	shalt  }
0x5c: {  	_ =	shalt  }
0x5d: {  	_ =	shalt  }
0x5e: {  	_ =	shalt  }
0x5f: {  	_ =	shalt  }
0x60: {  	_ =	shalt  }
0x61: {  	_ =	shalt  }
0x62: {  	_ =	shalt  }
0x63: {  	_ =	shalt  }
0x64: {  	_ =	shalt  }
0x65: {  	_ =	shalt  }
0x66: {  	_ =	shalt  }
0x67: {  	_ =	shalt  }
0x68: {  	_ =	shalt  }
0x69: {  	_ =	shalt  }
0x6a: {  	_ =	shalt  }
0x6b: {  	_ =	shalt  }
0x6c: {  	_ =	shalt  }
0x6d: {  	_ =	shalt  }
0x6e: {  	_ =	shalt  }
0x6f: {  	_ =	shalt  }
0x70: {  	_ =	shalt  }
0x71: {  	_ =	shalt  }
0x72: {  	_ =	shalt  }
0x73: {  	_ =	shalt  }
0x74: {  	_ =	shalt  }
0x75: {  	_ =	shalt  }
0x76: {  	_ =	shalt  }
0x77: {  	_ =	shalt  }
0x78: {  	_ =	shalt  }
0x79: {  	_ =	shalt  }
0x7a: {  	_ =	shalt  }
0x7b: {  	_ =	shalt  }
0x7c: {  	_ =	shalt  }
0x7d: {  	_ =	shalt  }
0x7e: {  	_ =	shalt  }
0x7f: {  	_ =	shalt  }
0x80: {  	_ =	shalt  }
0x81: {  	_ =	shalt  }
0x82: {  	_ =	shalt  }
0x83: {  	_ =	shalt  }
0x84: {  	_ =	shalt  }
0x85: {  	_ =	shalt  }
0x86: {  	_ =	shalt  }
0x87: {  	_ =	shalt  }
.Lfunc_end0:
.L_simem_size_0:
called_computation.2_lowered:
.L_overlay_start_0:
0x88: {  	s2 =	sld [smem:$0x3FD9]  }
0x89: {  	s3 =	sld [smem:$0x3FFE];
	_ =	sdelay $0x1  }
0x8a: {  	s1 =	srdreg.scid  }
0x8b: {  	s0 =	sand.u32 $0x1, s1  }
0x8c: {  	s17 =	sshll.u32 s0, $0xA;
	s2 =	sadd.s32 s3, s2  }
0x8d: {  	s2 =	sadd.s32 s2, s17  }
0x8e: {  	[smem:$0x3FBE] =	sst s2  }
0x8f: {  	_ = 	snop  }
0x90: {  	s2 =	sld [smem:$0x3FD0];
	(tm) =	ssettm $0x1  }
0x91: {  	s18 =	sld [smem:$0x3FFB];
	_ =	sdelay $0x3  }
0x92: {  	_ =	strace s18  }
0x93: {  	s3 =	sld [smem:$0x3FFC];
	_ =	sdelay $0x3  }
0x94: {  	_ =	strace s3  }
0x95: {  	s3 =	sld [smem:$0x3FFD];
	_ =	sdelay $0x3  }
0x96: {  	_ =	strace s3  }
0x97: {  	_ =	strace $0x8FFFFFFF  }
0x98: {  	s19 =	sld [smem:$0x3FDB];
	_ =	sdelay $0x1  }
0x99: {  	s4 =	simm.s32 $_scs_section_size  }
0x9a: {  	s5 =	simm.s32 $_size__tile_overlayer_lowered;
	s6 =	simm.s32 $_tile_overlayer_lowered  }
0x9b: {  	s22 =	simm.s32 $0x1BFF;
	s21 =	sshll.u32 s6, $0x1;
	s3 =	sadd.s32 s4, s19  }
0x9c: {  	s7 =	simm.s32 $0x0;
	s20 =	sshll.u32 s5, $0x1;
	s5 =	sadd.s32 s21, s3  }
0x9d: {  	[timem:s7], [sflag:s22] =	dma.local [hbm:s5], s20  }
0x9e: {  	_ =	swait.ge [sflag:s22], s20  }
0x9f: {  	s4 =	ssub.s32 $0x0, s20;
	[sflag:s22] =	ssyncset.done $0x0  }
0xa0: {  	[sflag:s22] =	ssyncadd.s32 s4;
	_ =	sdelay $0x1  }
0xa1: {  	s23 =	simm.s32 $0x1B8B  }
0xa2: {  	_ =	swait.ge [sflag:s23], $0x1  }
0xa3: {  	[sflag:s23] =	ssyncset.done $0x0  }
0xa4: {  	s25 =	simm.s32 $0x1B8E;
	s24 =	sld [smem:$0x3FFE];
	[sflag:s23] =	ssyncadd.s32 $0xFFFFFFFF  }
0xa5: {  	s26 =	simm.s32 $execute0_lowered;
	[smem:$0x3FD2] =	sst s25  }
0xa6: {  	s5 =	sshll.u32 s26, $0x1;
	_ =	strace $0x8000004C;
	[dreg:$0x1] =	wrdreg $0xFFFFFFFF  }
0xa7: {  	s28 =	simm.s32 $_size_execute0_lowered;
	s3 =	sadd.s32 s3, s5;
	[dreg:$0x0] =	wrdreg $0x0  }
0xa8: {  	s5 =	sshll.u32 s28, $0x1;
	[dreg:$0x2] =	wrdreg s3  }
0xa9: {  	[dreg:$0x3] =	wrdreg s5  }
0xaa: {  	[dreg:$0x4] =	wrdreg $0xC0  }
0xab: {  	_ =	task [dreg:s7], $0x5FFFF  }
0xac: {  	[dreg:$0x1] =	wrdreg $0xFFFFFFFF  }
0xad: {  	[dreg:$0x0] =	wrdreg $0x60  }
0xae: {  	[dreg:$0x2] =	wrdreg s24  }
0xaf: {  	[dreg:$0x3] =	wrdreg s2  }
0xb0: {  	[dreg:$0x4] =	wrdreg $0xC0000  }
0xb1: {  	[dreg:$0x5] =	wrdreg $0x9  }
0xb2: {  	_ =	task.clear_ibuf [dreg:s7], $0x6FFFF;
	_ =	strace $0x9000004C  }
0xb3: {  	s29 =	simm.s32 $0x9;
	_ =	strace $0x8000004E  }
0xb4: {  	_ =	swait.ge [sflag:s29], $0x1  }
0xb5: {  	[sflag:s29] =	ssyncadd.s32 $0xFFFFFFFF  }
0xb6: {  	_ =	strace $0x9000004E  }
0xb7: {  	_ =	sfence  }
0xb8: {  	s30 =	sld [smem:$0x0];
	_ =	sdelay $0x2  }
0xb9: {  	s31 =	sshll.u32 s1, $0xD;
	s1 =	sshrl.u32 s1, $0x2  }
0xba: {  	s3 =	sand.u32 $0x4000, s31;
	s1 =	sadd.s32 s1, s30  }
0xbb: {  	s0 =	sor.u32 s3, s0;
	s1 =	sshll.u32 s1, $0x11  }
0xbc: {  	s0 =	sor.u32 s1, s0  }
0xbd: {  	s0 =	sadd.s32 $0x8F2B, s0  }
0xbe: {  	[sflag:s0] =	ssyncadd.remote.s32 $0x1  }
0xbf: {  	_ =	sfence.sel $0xFFFF  }
0xc0: {  	[dreg:$0x0] =	wrdreg $0xFFFFFFFF;
	(pc) =	sbr.abs _section_cstart, $3  }
0xc1: {  	[dreg:$0x1] =	wrdreg $0xFFFFFFFF  }
0xc2: {  	_ =	task.clear_ibuf [dreg:s7], $0x2FFFF;
	_ =	strace $0x9FFFFFFF  }
0xc3: {  	(tm) =	ssettm $0x7FFFFFFF  }
tec
execute0_lowered:
.L_overlay_start_1:
0x0: {  	(tag) =	ssettag $0x1  }
0x1: {  	s7 =	rddreg [dreg:$0x0]  }
0x2: {  	s14 =	rddreg [dreg:$0x1]  }
0x3: {  	s1 =	rddreg [dreg:$0x2];
	s2 =	srdreg.scid  }
0x4: {  	s0 =	rddreg [dreg:$0x3];
	s3 =	simm.s32 $0x0;
	s19 =	simm.s32 $0x2  }
0x5: {  	s22 =	simm.s32 $0x4000;
	s23 =	simm.s32 $0x80;
	s24 =	simm.s32 $0x8000  }
0x6: {  	s25 =	simm.s32 $0x1;
	s17 =	sand.u32 $0x1, s2;
	s2 =	stileid.u32  }
0x7: {  	s26 =	simm.s32 $0x0;
	[smem:$0x7FF] =	sst s3;
	s6 =	smul.u32 $0x140000, s17  }
0x8: {  	s4 =	sadd.s32 $0xD200, s7;
	s13 =	sadd.s32 $0x3200, s7;
	s8 =	smul.u32 $0x14000, s2  }
0x9: {  	s5 =	sadd.s32 $0x35200, s7;
	_ =	strace $0x8000004D;
	s9 =	smul.u32 $0x50000, s2  }
0xa: {  	s29 =	ssub.s32 $0x2, s17;
	s30 =	sshll.u32 s2, $0x9;
	s18 =	sshll.u32 s2, $0xB  }
0xb: {  	s31 =	sshll.u32 s2, $0x6;
	p0 =	sne.s32 s17, $0x0;
	s11 =	sshrl.u32 s29, $0x1  }
0xc: {  	s12 =	sor.u32 $0x8000, s30;
	s17 =	sor.u32 $0x1C02, s31;
	s6 =	sadd.s32 s8, s6  }
0xd: {  	s9 =	sshrl.u32 s9, $0x2;
	s16 =	ssub.s32 s29, s11;
	s11 =	sadd.s32 s13, s12  }
0xe: {  	s12 =	sadd.s32 s14, s12;
	s13 =	sadd.s32 s13, s18;
	s14 =	sadd.s32 s14, s18  }
0xf: {  	s10 =	sshrl.u32 s6, $0x3;
	s6 =	sadd.s32 s9, s1;
	s16 =	smax.u32 s16, $0x1  }
0x10: {  	s15 =	sadd.s32 s10, s7;
	s7 =	sadd.s32 $0x4000, s6;
	s8 =	sadd.s32 $0x8000, s6  }
0x11: {  	s9 =	sadd.s32 $0xC000, s6;
	s10 =	sadd.s32 $0x10000, s6;
	s18 =	sshrl.u32 s6, $0x3  }
0x12: {  	v0 =	vimm.f32 $0.0e+00;
	s15 =	sadd.s32 $0x35A00, s15;
	s20 =	sshrl.u32 s7, $0x3;
	s21 =	sshrl.u32 s8, $0x3  }
.LBB2_1:
.Ltmp0:
0x13: {  	(pc) =	sbr.rel @p0 .LBB2_3-.Ltmp0, $1  }
0x14: {  	_ =	sdelay $0x3  }
0x15: {  	[spmem:s18], [sflag:s17] =	dma.local [hbm:s5], $0x800  }
0x16: {  	_ =	swait.ge [sflag:s19], $0x800  }
0x17: {  	[sflag:s19] =	ssyncset.done $0x0  }
0x18: {  	[sflag:s19] =	ssyncadd.s32 $0xFFFFF800  }
0x19: {  	[spmem:s20], [sflag:s17] =	dma.local [hbm:s5], $0x800  }
0x1a: {  	_ =	swait.ge [sflag:s19], $0x800  }
0x1b: {  	[sflag:s19] =	ssyncset.done $0x0  }
0x1c: {  	[sflag:s19] =	ssyncadd.s32 $0xFFFFF800  }
0x1d: {  	[spmem:s21], [sflag:s17] =	dma.local [hbm:s5], $0x800  }
0x1e: {  	_ =	swait.ge [sflag:s19], $0x800  }
0x1f: {  	[sflag:s19] =	ssyncset.done $0x0  }
0x20: {  	s28 =	sshrl.u32 s9, $0x3;
	[sflag:s19] =	ssyncadd.s32 $0xFFFFF800  }
0x21: {  	[spmem:s28], [sflag:s17] =	dma.local [hbm:s5], $0x800  }
0x22: {  	_ =	swait.ge [sflag:s19], $0x800  }
0x23: {  	[sflag:s19] =	ssyncset.done $0x0  }
0x24: {  	s31 =	sshrl.u32 s10, $0x3;
	[sflag:s19] =	ssyncadd.s32 $0xFFFFF800  }
0x25: {  	[spmem:s31], [sflag:s17] =	dma.local [hbm:s5], $0x800  }
0x26: {  	_ =	swait.ge [sflag:s19], $0x800  }
0x27: {  	[sflag:s19] =	ssyncset.done $0x0  }
0x28: {  	[sflag:s19] =	ssyncadd.s32 $0xFFFFF800  }
0x29: {  	[tilespmem:s3], [sflag:$0x2] =	stream.linear.gather [hbm4b:s13+s3], $0x4000, $0x38;
	v63 =	vld [tilespmem:$0x0]  }
0x2a: {  	_ =	swait.ge [sflag:s19], $0x4000  }
0x2b: {  	[sflag:s19] =	ssyncset.done $0x0  }
.Ltmp1:
0x2c: {  	[sflag:s19] =	ssyncadd.s32 $0xFFFFC000;
	(pc) =	sbr.rel .LBB2_6-.Ltmp1, $4  }
0x2d: {  	[tilespmem:s22], [sflag:$0x2] =	stream.linear.gather [hbm4b:s14+s3], $0x4000, $0x38;
	v63 =	vld [tilespmem:$0x0]  }
0x2e: {  	_ =	swait.ge [sflag:s19], $0x4000  }
0x2f: {  	[sflag:s19] =	ssyncset.done $0x0  }
0x30: {  	s30 =	simm.s32 $0x80;
	[sflag:s19] =	ssyncadd.s32 $0xFFFFC000  }
.LBB2_3:
0x31: {  	s28 =	sand.u32 $0xFE00, s3  }
0x32: {  	s29 =	sand.u32 $0x70, s3;
	s30 =	sshrl.u32 s28, $0x2  }
0x33: {  	s28 =	simm.s32 $0x40;
	s30 =	sor.u32 s29, s30;
	s29 =	simm.s32 $0x0  }
.LBB2_4:
0x34: {  	p1 =	sne.s32 s28, $0xFFC0  }
0x35: {  	[tilespmem:s30+$0x8000] =	vst v0;
	s29 =	sadd.s32 $0x10, s29;
	s30 =	smov.u32 s28;
	s28 =	sadd.s32 $0x40, s28  }
.Ltmp2:
0x36: {  	(pc) =	sbr.rel @p1 .LBB2_4-.Ltmp2, $4  }
0x37: {  	_ = 	snop  }
0x38: {  	s30 =	sand.u32 $0xFE00, s30  }
0x39: {  	s31 =	sand.u32 $0x70, s29;
	s30 =	sshrl.u32 s30, $0x2  }
0x3a: {  	s30 =	sor.u32 s31, s30  }
0x3b: {  	[tilespmem:s30+$0x8000] =	vst v0  }
0x3c: {  	[spmem:s6] =	stream.linear.scatter [tilespmem:s24], [sflag:$0x2], $0x4000, $0x38;
	v63 =	vld [tilespmem:$0x0]  }
0x3d: {  	_ =	swait.ge [sflag:s19], $0x4000  }
0x3e: {  	[sflag:s19] =	ssyncset.done $0x0  }
0x3f: {  	[sflag:s19] =	ssyncadd.s32 $0xFFFFC000  }
0x40: {  	[spmem:s7] =	stream.linear.scatter [tilespmem:s24], [sflag:$0x2], $0x4000, $0x38;
	v63 =	vld [tilespmem:$0x0]  }
0x41: {  	_ =	swait.ge [sflag:s19], $0x4000  }
0x42: {  	[sflag:s19] =	ssyncset.done $0x0  }
0x43: {  	[sflag:s19] =	ssyncadd.s32 $0xFFFFC000  }
0x44: {  	[spmem:s8] =	stream.linear.scatter [tilespmem:s24], [sflag:$0x2], $0x4000, $0x38;
	v63 =	vld [tilespmem:$0x0]  }
0x45: {  	_ =	swait.ge [sflag:s19], $0x4000  }
0x46: {  	[sflag:s19] =	ssyncset.done $0x0  }
0x47: {  	[sflag:s19] =	ssyncadd.s32 $0xFFFFC000  }
0x48: {  	[spmem:s9] =	stream.linear.scatter [tilespmem:s24], [sflag:$0x2], $0x4000, $0x38;
	v63 =	vld [tilespmem:$0x0]  }
0x49: {  	_ =	swait.ge [sflag:s19], $0x4000  }
0x4a: {  	[sflag:s19] =	ssyncset.done $0x0  }
0x4b: {  	[sflag:s19] =	ssyncadd.s32 $0xFFFFC000  }
0x4c: {  	[spmem:s10] =	stream.linear.scatter [tilespmem:s24], [sflag:$0x2], $0x4000, $0x38;
	v63 =	vld [tilespmem:$0x0]  }
0x4d: {  	_ =	swait.ge [sflag:s19], $0x4000  }
0x4e: {  	[sflag:s19] =	ssyncset.done $0x0  }
0x4f: {  	[sflag:s19] =	ssyncadd.s32 $0xFFFFC000  }
0x50: {  	[tilespmem:s3], [sflag:$0x2] =	stream.linear.gather [hbm4b:s11+s3], $0x1000, $0x38;
	v63 =	vld [tilespmem:$0x0]  }
0x51: {  	_ =	swait.ge [sflag:s19], $0x1000  }
0x52: {  	[sflag:s19] =	ssyncset.done $0x0  }
0x53: {  	[sflag:s19] =	ssyncadd.s32 $0xFFFFF000  }
0x54: {  	[tilespmem:s22], [sflag:$0x2] =	stream.linear.gather [hbm4b:s12+s3], $0x1000, $0x38;
	v63 =	vld [tilespmem:$0x0]  }
0x55: {  	_ =	swait.ge [sflag:s19], $0x1000  }
0x56: {  	[sflag:s19] =	ssyncset.done $0x0  }
0x57: {  	s30 =	simm.s32 $0x20;
	[sflag:s19] =	ssyncadd.s32 $0xFFFFF000  }
.LBB2_6:
0x58: {  	[bflag:$0x0] =	sbarrier.arrive $0xFFFF;
	s28 =	simm.s32 $0x0  }
0x59: {  	[tilespmem:s24], [sflag:$0x1] =	stream.indirect.gather [hbm4b:s4+s23], $0x80, s28, s23, $0xb8;
	v63 =	vld [tilespmem:$0x0]  }
0x5a: {  	p1 =	sne.s32 s30, $0x1;
	_ =	swait.ge [sflag:s25], $0x4000  }
.Ltmp3:
0x5b: {  	[sflag:s25] =	ssyncset.done $0x0;
	(pc) =	sbr.rel @!p1 .LBB2_8-.Ltmp3, $4  }
0x5c: {  	s29 =	simm.s32 $0x4000;
	[sflag:s25] =	ssyncadd.s32 $0xFFFFC000  }
0x5d: {  	[spmem:s1] =	stream.indirect.scatter.add.f32 [tilespmem:s24], [sflag:$0x2], $0x80, s29, s23, $0xb8;
	v63 =	vld [tilespmem:$0x0]  }
0x5e: {  	_ =	swait.ge [sflag:s19], $0x4000  }
0x5f: {  	s30 =	sadd.s32 $0xFFFFFFFF, s30;
	[sflag:s19] =	ssyncset.done $0x0  }
.LBB2_7:
0x60: {  	[sflag:s19] =	ssyncadd.s32 $0xFFFFC000;
	s28 =	sadd.s32 $0x80, s28;
	s29 =	sadd.s32 $0x80, s29  }
0x61: {  	[tilespmem:s24], [sflag:$0x1] =	stream.indirect.gather [hbm4b:s4+s23], $0x80, s28, s23, $0xb8;
	v63 =	vld [tilespmem:$0x0]  }
0x62: {  	p1 =	sne.s32 s30, $0x1;
	s30 =	sadd.s32 $0xFFFFFFFF, s30;
	_ =	swait.ge [sflag:s25], $0x4000  }
.Ltmp4:
0x63: {  	[sflag:s25] =	ssyncset.done $0x0;
	(pc) =	sbr.rel @p1 .LBB2_7-.Ltmp4, $4  }
0x64: {  	[sflag:s25] =	ssyncadd.s32 $0xFFFFC000  }
0x65: {  	[spmem:s1] =	stream.indirect.scatter.add.f32 [tilespmem:s24], [sflag:$0x2], $0x80, s29, s23, $0xb8;
	v63 =	vld [tilespmem:$0x0]  }
0x66: {  	_ =	swait.ge [sflag:s19], $0x4000  }
0x67: {  	[sflag:s19] =	ssyncset.done $0x0  }
.LBB2_8:
0x68: {  	s26 =	sadd.s32 $0x1, s26  }
0x69: {  	[sflag:s19] =	ssyncadd.s32 $0xFFFFC000;
	p1 =	sne.s32 s26, s16  }
.Ltmp5:
0x6a: {  	[bflag:$0x0] =	sbarrier.arrive $0xFFFF;
	(pc) =	sbr.rel @p1 .LBB2_1-.Ltmp5, $4  }
0x6b: {  	[hbm:s15], [sflag:s17] =	dma.local [spmem:s18], $0x2800  }
0x6c: {  	_ =	swait.ge [sflag:s19], $0x2800  }
0x6d: {  	[sflag:s19] =	ssyncset.done $0x0  }
0x6e: {  	[sflag:s19] =	ssyncadd.s32 $0xFFFFD800  }
0x6f: {  	_ =	sfence.sel $0x180000  }
0x70: {  	[bflag:$0x0] =	sbarrier.arrive $0xFFFF  }
0x71: {  	p0 =	sne.s32 s2, $0x0;
	_ =	strace $0x9000004D  }
0x72: {  	s0 =	sadd.s32 @!p0 $0x100000, s0;
	[bflag:$0x2] =	sbarrier.arrive $0xFFFF  }
0x73: {  	[sflag:s0] =	ssyncadd.tile.s32 @!p0 $0x1;
	_ =	shalt  }
.Lfunc_end2:
_tile_overlayer_lowered:
.L_overlay_start_2:
0x74: {  	(tag) =	ssettag $0x2  }
0x75: {  	s0 =	rddreg [dreg:$0x0];
	s2 =	stileid.u32  }
0x76: {  	s1 =	rddreg [dreg:$0x1];
	p0 =	sne.s32 s2, $0x0  }
0x77: {  	s3 =	rddreg [dreg:$0x2];
	[bflag:$0x3] =	sbarrier.arrive $0xFFFF;
	s2 =	simm.s32 @!p0 $0x1C02  }
0x78: {  	[timem:s3], [sflag:s2] =	dma.local @!p0 [hbm:s0], s1  }
0x79: {  	s0 =	simm.s32 @!p0 $0x2  }
0x7a: {  	_ =	swait.ge @!p0 [sflag:s0], s1  }
0x7b: {  	s1 =	ssub.s32 @!p0 $0x0, s1;
	[sflag:s0] =	ssyncset.done @!p0 $0x0  }
0x7c: {  	[sflag:s0] =	ssyncadd.s32 @!p0 s1  }
0x7d: {  	[bflag:$0x3] =	sbarrier.arrive $0xFFFF  }
0x7e: {  	_ =	shalt  }

// kernel: kernel.8.cloned.1.call-start
scs
__scs_entry_jumppad:
0x0: {  	(pc) =	sbr.rel $0x88, $3  }
0x1: {  	(tag) =	ssettag $0x0;
	lr =	simm.s32 $0x1  }
0x2: {  	[smem:$0x3F97] =	sst lr;
	_ =	strace $0xD0000000  }
0x3: {  	_ = 	snop  }
0x4: {  	_ = 	snop  }
0x5: {  	_ = 	snop  }
0x6: {  	_ = 	snop  }
0x7: {  	_ = 	snop  }
__scs_overlays_trampoline_lowered:
0x8: {  	[smem:$0x3FA6] =	sst s0  }
0x9: {  	[smem:$0x3FA7] =	sst s1  }
0xa: {  	[smem:$0x3FA8] =	sst s2  }
0xb: {  	[smem:$0x3FA9] =	sst s3  }
0xc: {  	[smem:$0x3FAA] =	sst s4  }
0xd: {  	[smem:$0x3FAB] =	sst s5  }
0xe: {  	[smem:$0x3FAC] =	sst s6  }
0xf: {  	[smem:$0x3FAD] =	sst s7  }
0x10: {  	[smem:$0x3FAE] =	sst s8  }
0x11: {  	[smem:$0x3FAF] =	sst s9;
	s0 =	simm.s32 @!p0 $0x0  }
0x12: {  	s1 =	sld [smem:$0x3F95];
	s0 =	simm.s32 @p0 $0x1  }
0x13: {  	[smem:$0x3FB0] =	sst s0;
	s0 =	simm.s32 @!p1 $0x0  }
0x14: {  	s2 =	sld [smem:$0x3F94];
	s0 =	simm.s32 @p1 $0x1  }
0x15: {  	[smem:$0x3FB1] =	sst s0;
	s0 =	simm.s32 @!p2 $0x0  }
0x16: {  	s3 =	sld [smem:$0x3FDB];
	s0 =	simm.s32 @p2 $0x1  }
0x17: {  	s4 =	simm.s32 $0x1BF5;
	[smem:$0x3FB3] =	sst s0  }
0x18: {  	s0 =	sld [smem:$0x3F96];
	_ =	swait.ge [sflag:s4], $0x0  }
0x19: {  	s7 =	sld [smem:$0x3F97]  }
0x1a: {  	s8 =	sadd.s32 $0xFFFFE003, lr  }
0x1b: {  	s9 =	sadd.s32 $0xFFFFFEF7, lr;
	s5 =	simm.s32 $0xFFFFFFFF;
	p2 =	slt.u32 s8, $0xFFFFF086  }
0x1c: {  	p1 =	slt.u32 s9, $0xF7A;
	s5 =	simm.s32 @!p2 $0x0  }
0x1d: {  	s5 =	simm.s32 @p1 $0x1;
	p0 =	seq.s32 s7, s2  }
0x1e: {  	s7 =	smul.u32 @!p0 $0xF7A, s2;
	p2 =	seq.s32 @!p0 s5, $0x0  }
0x1f: {  	s9 =	smul.u32 $0xF7A, s1;
	s8 =	simm.s32 @!p0 $0x1BF5;
	p2 =	por !p2, p0  }
0x20: {  	[sflag:s8] =	ssyncset.s32 @!p0 $0xFFFFF086;
	s6 =	sadd.s32 @!p0 s3, s7;
	s7 =	simm.s32 @!p0 $0x108  }
0x21: {  	s3 =	sadd.s32 s3, s9;
	s6 =	sadd.s32 @!p0 $0x88, s6;
	s7 =	simm.s32 @p2 $0x1082  }
0x22: {  	[simem:s7], [sflag:s8] =	dma.local @!p0 [hbm:s6], $0xF7A  }
0x23: {  	s9 =	sor.u32 $0xD0000000, s2;
	s6 =	simm.s32 $0x108;
	_ =	swait.ge @!p0 [sflag:s8], $0x0  }
0x24: {  	s3 =	sadd.s32 $0x88, s3;
	s6 =	simm.s32 @!p1 $0x1082;
	[sflag:s4] =	ssyncset.s32 $0xFFFFF086  }
0x25: {  	[simem:s6], [sflag:s4] =	dma.local [hbm:s3], $0xF7A  }
0x26: {  	[smem:$0x3F97] =	sst s1;
	(tag) =	ssettag s2;
	_ =	strace s9  }
0x27: {  	s1 =	sld [smem:$0x3FA7]  }
0x28: {  	s2 =	sld [smem:$0x3FA8]  }
0x29: {  	s4 =	sld [smem:$0x3FAA]  }
0x2a: {  	p0 =	seq.s32 s5, $0x0;
	s5 =	sld [smem:$0x3FAB]  }
0x2b: {  	s6 =	sld [smem:$0x3FAC]  }
0x2c: {  	s7 =	sld [smem:$0x3FAD]  }
0x2d: {  	s3 =	simm.s32 $0x108;
	s8 =	sld [smem:$0x3FAE]  }
0x2e: {  	s3 =	simm.s32 @!p0 $0x1082;
	s9 =	sld [smem:$0x3FAF]  }
0x2f: {  	lr =	sadd.s32 s0, s3;
	s0 =	sld [smem:$0x3FA6]  }
0x30: {  	s3 =	sld [smem:$0x3FA9]  }
0x31: {  	[smem:$0x3FB2] =	sst s10  }
0x32: {  	s10 =	sld [smem:$0x3FB0];
	_ =	sdelay $0x3  }
0x33: {  	p0 =	seq.s32 s10, $0x1;
	s10 =	sld [smem:$0x3FB2];
	_ =	sdelay $0x3  }
0x34: {  	[smem:$0x3FB2] =	sst s10  }
0x35: {  	s10 =	sld [smem:$0x3FB1];
	_ =	sdelay $0x3  }
0x36: {  	p1 =	seq.s32 s10, $0x1;
	s10 =	sld [smem:$0x3FB2];
	_ =	sdelay $0x3  }
0x37: {  	[smem:$0x3FB2] =	sst s10  }
0x38: {  	s10 =	sld [smem:$0x3FB3]  }
0x39: {  	_ = 	snop;
	(pc) =	sbr.ind lr, $3  }
0x3a: {  	_ = 	snop  }
0x3b: {  	_ = 	snop  }
0x3c: {  	p2 =	seq.s32 s10, $0x1;
	s10 =	sld [smem:$0x3FB2]  }
0x3d: {  	_ =	shalt  }
0x3e: {  	_ =	shalt  }
0x3f: {  	_ =	shalt  }
0x40: {  	_ =	shalt  }
0x41: {  	_ =	shalt  }
0x42: {  	_ =	shalt  }
0x43: {  	_ =	shalt  }
0x44: {  	_ =	shalt  }
0x45: {  	_ =	shalt  }
0x46: {  	_ =	shalt  }
0x47: {  	_ =	shalt  }
0x48: {  	_ =	shalt  }
0x49: {  	_ =	shalt  }
0x4a: {  	_ =	shalt  }
0x4b: {  	_ =	shalt  }
0x4c: {  	_ =	shalt  }
0x4d: {  	_ =	shalt  }
0x4e: {  	_ =	shalt  }
0x4f: {  	_ =	shalt  }
0x50: {  	_ =	shalt  }
0x51: {  	_ =	shalt  }
0x52: {  	_ =	shalt  }
0x53: {  	_ =	shalt  }
0x54: {  	_ =	shalt  }
0x55: {  	_ =	shalt  }
0x56: {  	_ =	shalt  }
0x57: {  	_ =	shalt  }
0x58: {  	_ =	shalt  }
0x59: {  	_ =	shalt  }
0x5a: {  	_ =	shalt  }
0x5b: {  	_ =	shalt  }
0x5c: {  	_ =	shalt  }
0x5d: {  	_ =	shalt  }
0x5e: {  	_ =	shalt  }
0x5f: {  	_ =	shalt  }
0x60: {  	_ =	shalt  }
0x61: {  	_ =	shalt  }
0x62: {  	_ =	shalt  }
0x63: {  	_ =	shalt  }
0x64: {  	_ =	shalt  }
0x65: {  	_ =	shalt  }
0x66: {  	_ =	shalt  }
0x67: {  	_ =	shalt  }
0x68: {  	_ =	shalt  }
0x69: {  	_ =	shalt  }
0x6a: {  	_ =	shalt  }
0x6b: {  	_ =	shalt  }
0x6c: {  	_ =	shalt  }
0x6d: {  	_ =	shalt  }
0x6e: {  	_ =	shalt  }
0x6f: {  	_ =	shalt  }
0x70: {  	_ =	shalt  }
0x71: {  	_ =	shalt  }
0x72: {  	_ =	shalt  }
0x73: {  	_ =	shalt  }
0x74: {  	_ =	shalt  }
0x75: {  	_ =	shalt  }
0x76: {  	_ =	shalt  }
0x77: {  	_ =	shalt  }
0x78: {  	_ =	shalt  }
0x79: {  	_ =	shalt  }
0x7a: {  	_ =	shalt  }
0x7b: {  	_ =	shalt  }
0x7c: {  	_ =	shalt  }
0x7d: {  	_ =	shalt  }
0x7e: {  	_ =	shalt  }
0x7f: {  	_ =	shalt  }
0x80: {  	_ =	shalt  }
0x81: {  	_ =	shalt  }
0x82: {  	_ =	shalt  }
0x83: {  	_ =	shalt  }
0x84: {  	_ =	shalt  }
0x85: {  	_ =	shalt  }
0x86: {  	_ =	shalt  }
0x87: {  	_ =	shalt  }
.Lfunc_end0:
.L_simem_size_0:
called_computation_lowered:
.L_overlay_start_0:
0x88: {  	s2 =	sld [smem:$0x3FD9]  }
0x89: {  	s3 =	sld [smem:$0x3FFE];
	_ =	sdelay $0x1  }
0x8a: {  	s1 =	srdreg.scid  }
0x8b: {  	s0 =	sand.u32 $0x1, s1  }
0x8c: {  	s17 =	sshll.u32 s0, $0xA;
	s2 =	sadd.s32 s3, s2  }
0x8d: {  	s2 =	sadd.s32 s2, s17  }
0x8e: {  	[smem:$0x3FBE] =	sst s2  }
0x8f: {  	_ = 	snop  }
0x90: {  	s2 =	sld [smem:$0x3FD0];
	(tm) =	ssettm $0x1  }
0x91: {  	s18 =	sld [smem:$0x3FFB];
	_ =	sdelay $0x3  }
0x92: {  	_ =	strace s18  }
0x93: {  	s3 =	sld [smem:$0x3FFC];
	_ =	sdelay $0x3  }
0x94: {  	_ =	strace s3  }
0x95: {  	s3 =	sld [smem:$0x3FFD];
	_ =	sdelay $0x3  }
0x96: {  	_ =	strace s3  }
0x97: {  	_ =	strace $0x8FFFFFFF  }
0x98: {  	s19 =	sld [smem:$0x3FDB];
	_ =	sdelay $0x1  }
0x99: {  	s4 =	simm.s32 $_scs_section_size  }
0x9a: {  	s5 =	simm.s32 $_size__tile_overlayer_lowered;
	s6 =	simm.s32 $_tile_overlayer_lowered  }
0x9b: {  	s22 =	simm.s32 $0x1BFF;
	s21 =	sshll.u32 s6, $0x1;
	s3 =	sadd.s32 s4, s19  }
0x9c: {  	s7 =	simm.s32 $0x0;
	s20 =	sshll.u32 s5, $0x1;
	s5 =	sadd.s32 s21, s3  }
0x9d: {  	[timem:s7], [sflag:s22] =	dma.local [hbm:s5], s20  }
0x9e: {  	_ =	swait.ge [sflag:s22], s20  }
0x9f: {  	s4 =	ssub.s32 $0x0, s20;
	[sflag:s22] =	ssyncset.done $0x0  }
0xa0: {  	[sflag:s22] =	ssyncadd.s32 s4;
	_ =	sdelay $0x1  }
0xa1: {  	s23 =	simm.s32 $0x1B8B  }
0xa2: {  	_ =	swait.ge [sflag:s23], $0x1  }
0xa3: {  	[sflag:s23] =	ssyncset.done $0x0  }
0xa4: {  	s25 =	simm.s32 $0x1B8E;
	s24 =	sld [smem:$0x3FFE];
	[sflag:s23] =	ssyncadd.s32 $0xFFFFFFFF  }
0xa5: {  	s26 =	simm.s32 $execute0_lowered;
	[smem:$0x3FD2] =	sst s25  }
0xa6: {  	s5 =	sshll.u32 s26, $0x1;
	_ =	strace $0x80000046;
	[dreg:$0x1] =	wrdreg $0xFFFFFFFF  }
0xa7: {  	s28 =	simm.s32 $_size_execute0_lowered;
	s3 =	sadd.s32 s3, s5;
	[dreg:$0x0] =	wrdreg $0x0  }
0xa8: {  	s5 =	sshll.u32 s28, $0x1;
	[dreg:$0x2] =	wrdreg s3  }
0xa9: {  	[dreg:$0x3] =	wrdreg s5  }
0xaa: {  	[dreg:$0x4] =	wrdreg $0xC0  }
0xab: {  	_ =	task [dreg:s7], $0x5FFFF  }
0xac: {  	[dreg:$0x1] =	wrdreg $0xFFFFFFFF  }
0xad: {  	[dreg:$0x0] =	wrdreg $0x60  }
0xae: {  	[dreg:$0x2] =	wrdreg s2  }
0xaf: {  	[dreg:$0x3] =	wrdreg s24  }
0xb0: {  	[dreg:$0x4] =	wrdreg $0x9  }
0xb1: {  	_ =	task.clear_ibuf [dreg:s7], $0x5FFFF;
	_ =	strace $0x90000046  }
0xb2: {  	s29 =	simm.s32 $0x9;
	_ =	strace $0x80000048  }
0xb3: {  	_ =	swait.ge [sflag:s29], $0x1  }
0xb4: {  	[sflag:s29] =	ssyncadd.s32 $0xFFFFFFFF  }
0xb5: {  	_ =	strace $0x90000048  }
0xb6: {  	_ =	sfence  }
0xb7: {  	s30 =	sld [smem:$0x0];
	_ =	sdelay $0x2  }
0xb8: {  	s31 =	sshll.u32 s1, $0xD;
	s1 =	sshrl.u32 s1, $0x2  }
0xb9: {  	s3 =	sand.u32 $0x4000, s31;
	s1 =	sadd.s32 s1, s30  }
0xba: {  	s0 =	sor.u32 s3, s0;
	s1 =	sshll.u32 s1, $0x11  }
0xbb: {  	s0 =	sor.u32 s1, s0  }
0xbc: {  	s0 =	sadd.s32 $0x8F2B, s0  }
0xbd: {  	[sflag:s0] =	ssyncadd.remote.s32 $0x1  }
0xbe: {  	_ =	sfence.sel $0xFFFF  }
0xbf: {  	[dreg:$0x0] =	wrdreg $0xFFFFFFFF;
	(pc) =	sbr.abs _section_cstart, $3  }
0xc0: {  	[dreg:$0x1] =	wrdreg $0xFFFFFFFF  }
0xc1: {  	_ =	task.clear_ibuf [dreg:s7], $0x2FFFF;
	_ =	strace $0x9FFFFFFF  }
0xc2: {  	(tm) =	ssettm $0x7FFFFFFF  }
0xc3: {  	_ =	shalt  }
tec
execute0_lowered:
.L_overlay_start_1:
0x0: {  	(tag) =	ssettag $0x1  }
0x1: {  	s0 =	srdreg.scid;
	s4 =	rddreg [dreg:$0x0]  }
0x2: {  	s5 =	rddreg [dreg:$0x1];
	s1 =	stileid.u32;
	s3 =	sand.u32 $0x1, s0  }
0x3: {  	s2 =	simm.s32 $0x0;
	s9 =	simm.s32 $0x0;
	s6 =	sshll.u32 s3, $0x4  }
0x4: {  	s0 =	rddreg [dreg:$0x2];
	s7 =	ssub.s32 $0x2, s3;
	s6 =	sor.u32 s1, s6  }
0x5: {  	[smem:$0x7FF] =	sst s2;
	s8 =	sshrl.u32 s7, $0x1;
	s6 =	smul.u32 $0x500, s6  }
0x6: {  	_ =	strace $0x80000047;
	s3 =	sadd.s32 $0xD200, s5;
	s7 =	ssub.s32 s7, s8  }
0x7: {  	s8 =	simm.s32 $0x1;
	s5 =	sadd.s32 s6, s5;
	s4 =	sadd.s32 s4, s6  }
0x8: {  	v0 =	vimm.f32 $1.000000000e+00;
	s6 =	smax.u32 s7, $0x1;
	s7 =	simm.s32 $0x2800;
	s5 =	sadd.s32 $0xD800, s5  }
.LBB2_1:
0x9: {  	[tilespmem:s7], [sflag:$0x1] =	stream.linear.gather [hbm4b:s3+s2], $0x2800, $0x38;
	[tilespmem:$0x5000] =	vst v63  }
0xa: {  	_ =	swait.ge [sflag:s8], $0x2800  }
0xb: {  	[sflag:s8] =	ssyncset.done $0x0  }
0xc: {  	[sflag:s8] =	ssyncadd.s32 $0xFFFFD800  }
0xd: {  	[tilespmem:s2], [sflag:$0x1] =	stream.linear.gather [hbm4b:s4+s2], $0x2800, $0x38;
	[tilespmem:$0x5000] =	vst v63  }
0xe: {  	s10 =	sand.u32 $0xFE00, s2;
	_ =	swait.ge [sflag:s8], $0x2800  }
0xf: {  	s11 =	sand.u32 $0x70, s2;
	s10 =	sshrl.u32 s10, $0x2;
	[sflag:s8] =	ssyncset.done $0x0  }
0x10: {  	s10 =	sor.u32 s11, s10;
	[sflag:s8] =	ssyncadd.s32 $0xFFFFD800  }
0x11: {  	v1 =	vld [tilespmem:s10+$0x0];
	_ =	sdelay $0x4  }
0x12: {  	s12 =	simm.s32 $0x40  }
0x13: {  	s12 =	sand.u32 $0xFE00, s12;
	s11 =	simm.s32 $0x80;
	s10 =	simm.s32 $0x10  }
.LBB2_2:
0x14: {  	p0 =	sne.s32 s11, $0x9FC0;
	s13 =	sand.u32 $0x70, s10;
	s12 =	sshrl.u32 s12, $0x2  }
0x15: {  	s12 =	sor.u32 s13, s12;
	[tilespmem:v1+s7+$0x0] =	vst.idx.add.f32.msk $0xffff, v0  }
0x16: {  	v1 =	vld [tilespmem:s12+$0x0];
	_ =	sdelay $0x1  }
.Ltmp0:
0x17: {  	(pc) =	sbr.rel @p0 .LBB2_2-.Ltmp0, $2  }
0x18: {  	_ =	sdelay $0x2  }
0x19: {  	s10 =	sadd.s32 $0x10, s10;
	s12 =	sand.u32 $0xFE00, s11;
	s11 =	sadd.s32 $0x40, s11  }
0x1a: {  	_ =	sdelay $0x2  }
0x1b: {  	s10 =	sand.u32 $0x70, s10;
	s11 =	sshrl.u32 s12, $0x2  }
0x1c: {  	[tilespmem:v1+s7+$0x0] =	vst.idx.add.f32.msk $0xffff, v0;
	s10 =	sor.u32 s10, s11  }
0x1d: {  	v1 =	vld [tilespmem:s10+$0x0];
	_ =	sdelay $0x5  }
0x1e: {  	s9 =	sadd.s32 $0x1, s9  }
0x1f: {  	p0 =	sne.s32 s9, s6  }
.Ltmp1:
0x20: {  	[tilespmem:v1+s7+$0x0] =	vst.idx.add.f32.msk $0xffff, v0;
	(pc) =	sbr.rel @p0 .LBB2_1-.Ltmp1, $4  }
0x21: {  	[hbm4b:s5+s2] =	stream.linear.scatter [tilespmem:s7], [sflag:$0x1], $0x2800, $0x38;
	[tilespmem:$0x5000] =	vst v63  }
0x22: {  	_ =	swait.ge [sflag:s8], $0x2800  }
0x23: {  	[sflag:s8] =	ssyncset.done $0x0  }
0x24: {  	[sflag:s8] =	ssyncadd.s32 $0xFFFFD800  }
0x25: {  	_ =	sfence.sel $0x180000  }
0x26: {  	[bflag:$0x0] =	sbarrier.arrive $0xFFFF  }
0x27: {  	p0 =	sne.s32 s1, $0x0;
	_ =	strace $0x90000047  }
0x28: {  	s0 =	sadd.s32 @!p0 $0x100000, s0;
	[bflag:$0x2] =	sbarrier.arrive $0xFFFF  }
0x29: {  	[sflag:s0] =	ssyncadd.tile.s32 @!p0 $0x1;
	_ =	shalt  }
.Lfunc_end2:
_tile_overlayer_lowered:
.L_overlay_start_2:
0x2a: {  	(tag) =	ssettag $0x2  }
0x2b: {  	s0 =	rddreg [dreg:$0x0];
	s2 =	stileid.u32  }
0x2c: {  	s1 =	rddreg [dreg:$0x1];
	p0 =	sne.s32 s2, $0x0  }
0x2d: {  	s3 =	rddreg [dreg:$0x2];
	[bflag:$0x3] =	sbarrier.arrive $0xFFFF;
	s2 =	simm.s32 @!p0 $0x1C01  }
0x2e: {  	[timem:s3], [sflag:s2] =	dma.local @!p0 [hbm:s0], s1  }
0x2f: {  	s0 =	simm.s32 @!p0 $0x1  }
0x30: {  	_ =	swait.ge @!p0 [sflag:s0], s1  }
0x31: {  	s1 =	ssub.s32 @!p0 $0x0, s1;
	[sflag:s0] =	ssyncset.done @!p0 $0x0  }
0x32: {  	[sflag:s0] =	ssyncadd.s32 @!p0 s1  }
0x33: {  	[bflag:$0x3] =	sbarrier.arrive $0xFFFF  }
0x34: {  	_ =	shalt  }

</sc_bundles>
